<compile_context>
chip_gen: v7x
topology: tpu7x:2x2x1
jax: 0.10.2.dev20260603
libtpu: 0.0.44.dev20260713+nightly
codegen_flags: <defaults>
</compile_context>

<pallas_src>
import functools
import math

import jax
import jax.numpy as jnp
from jax import lax
from jax.experimental import pallas as pl
from jax.experimental.pallas import tpu as pltpu
from jax.experimental.pallas import tpu_sc as plsc

_K = 4
_BATCH = 16
_NA = 4
_BN = _BATCH * _NA
_R = _K * _BN
_HZ = 10.0
_SEQ = 40
_SPR = 6
_SPT = 6
_NB = _SPR * _SPT
_RMIN = 0.5
_RMAX = 4.0
_RSTEP = (_RMAX - _RMIN) / _SPR
_TSTEP = 2.0 * math.pi / _SPT
_HID = 48
_HH = 80
_NPIX = _BATCH * _HH * _HH
_NGAT = _SEQ * _R
_F32 = jnp.float32
_PREC = lax.Precision.DEFAULT


def _conv_body(x_ref, w_ref, b_ref, o_ref):
    acc = jnp.dot(x_ref[...], w_ref[...], preferred_element_type=_F32,
                  precision=_PREC)
    relu = jnp.maximum(acc + b_ref[...], 0.0)
    o_ref[...] = jnp.concatenate(
        [relu, jnp.zeros((relu.shape[0], 96), _F32)], axis=1)


def _conv_feature_table(x9, w9, b2, interpret=False):
    blk = _NPIX // 8
    return pl.pallas_call(
        _conv_body,
        grid=(8,),
        in_specs=[
            pl.BlockSpec((blk, 36), lambda i: (i, 0)),
            pl.BlockSpec((36, 32), lambda i: (0, 0)),
            pl.BlockSpec((1, 32), lambda i: (0, 0)),
        ],
        out_specs=pl.BlockSpec((blk, 128), lambda i: (i, 0)),
        out_shape=jax.ShapeDtypeStruct((_NPIX, 128), _F32),
        interpret=interpret,
    )(x9, w9, b2)


def _geom_body(li_ref, mf_ref, pxf_ref, pyf_ref,
               oh1_ref, oh2_ref, oh3_ref, den_ref, pix_ref):
    oh_refs = (oh1_ref, oh2_ref, oh3_ref)
    n = li_ref.shape[2]
    raws = []
    bins_iota = lax.broadcasted_iota(jnp.int32, (_NA, _NB, n), 1)
    for s in range(3):
        li = li_ref[s]
        mf = mf_ref[s]
        raw = jnp.where(li[:, None, :] == bins_iota, 1.0, 0.0) \
            * mf[:, None, :]
        raws.append(raw)

    cnt = raws[0] + raws[1] + raws[2]
    den_ref[...] = jnp.where(cnt == 0.0, 1.0, cnt)
    for s in range(3):
        oh_refs[s][...] = raws[s]

    pxf = pxf_ref[...]
    pyf = pyf_ref[...]
    u = jnp.clip(_HH // 2 - pyf.astype(jnp.int32), 0, _HH - 1)
    v = jnp.clip(pxf.astype(jnp.int32), 0, _HH - 1)
    scene = (lax.broadcasted_iota(jnp.int32, pxf.shape, 1) // _NA) % _BATCH
    pix_ref[...] = scene * (_HH * _HH) + u * _HH + v


def _geometry(li, mf, pxf, pyf, interpret=False):
    n = li.shape[2]
    m = pxf.shape[1]
    return pl.pallas_call(
        _geom_body,
        out_shape=(
            jax.ShapeDtypeStruct((_NA, _NB, n), _F32),
            jax.ShapeDtypeStruct((_NA, _NB, n), _F32),
            jax.ShapeDtypeStruct((_NA, _NB, n), _F32),
            jax.ShapeDtypeStruct((_NA, _NB, n), _F32),
            jax.ShapeDtypeStruct((1, m), jnp.int32),
        ),
        interpret=interpret,
    )(li, mf, pxf, pyf)


def _sc_gather(table, idx):
    nw = 32
    bpw = _NGAT // nw
    mesh = plsc.VectorSubcoreMesh(core_axis_name="c", subcore_axis_name="s",
                                  num_cores=2, num_subcores=16)

    @functools.partial(
        pl.kernel, mesh=mesh,
        out_type=jax.ShapeDtypeStruct((_NGAT, 128), _F32),
        scratch_types=[
            pltpu.VMEM((bpw,), jnp.int32),
            pltpu.VMEM((bpw, 128), _F32),
            pltpu.SemaphoreType.DMA,
        ],
    )
    def gather_k(table_hbm, idx_hbm, out_hbm, idx_v, rows_v, sem):
        wid = lax.axis_index("s") * 2 + lax.axis_index("c")
        base = wid * bpw
        pltpu.sync_copy(idx_hbm.at[pl.ds(base, bpw)], idx_v)
        pltpu.async_copy(table_hbm.at[idx_v], rows_v, sem).wait()
        pltpu.sync_copy(rows_v, out_hbm.at[pl.ds(base, bpw)])

    return gather_k(table, idx)


def _gru_body(lhalf_ref, ohs_ref, t48_ref, e36_ref, wscf_ref,
              wih_ref, whh_ref, bih_ref, bhh_ref,
              wdy_ref, bdy_ref, wsc_ref, bsc_ref, hx0_ref,
              dy_ref, sc_ref, hx_s):
    it = pl.program_id(0)

    @pl.when(it == 0)
    def _init():
        hx_s[...] = hx0_ref[...]
        sc_ref[...] = jnp.zeros_like(sc_ref)

    hx = hx_s[...]
    hid0 = jnp.concatenate([hx[j * _BN: j * _BN + _BATCH] for j in range(_NA)],
                           axis=0)

    acc = jnp.zeros((_R, 36 * _HID), dtype=_F32)
    for s in (1, 2, 3):
        hs = jnp.concatenate([hid0[s * _BATCH:], hid0[:s * _BATCH]], axis=0)
        hb = jnp.broadcast_to(
            hs.reshape(_NA, 1, _BATCH, _HID),
            (_NA, _K, _BATCH, _HID)).reshape(_R, _HID)
        hbt = jnp.dot(hb, t48_ref[...], preferred_element_type=_F32,
                      precision=lax.Precision.HIGHEST)
        raw = ohs_ref[0, :, s - 1, :]
        rawx = jnp.dot(raw, e36_ref[...], preferred_element_type=_F32,
                       precision=lax.Precision.HIGHEST)
        acc = acc + rawx * hbt
    den = ohs_ref[0, :, 3, :]
    denx = jnp.dot(den, e36_ref[...], preferred_element_type=_F32,
                   precision=lax.Precision.HIGHEST)
    sps = acc / denx
    rhalf = jnp.dot(sps, wscf_ref[...], preferred_element_type=_F32,
                    precision=_PREC)

    x_i = jnp.concatenate([lhalf_ref[0], rhalf], axis=1)
    gi = jnp.dot(x_i, wih_ref[...], preferred_element_type=_F32,
                 precision=_PREC) + bih_ref[...]
    gh = jnp.dot(hx, whh_ref[...], preferred_element_type=_F32,
                 precision=_PREC) + bhh_ref[...]
    r = jax.nn.sigmoid(gi[:, :_HID] + gh[:, :_HID])
    z = jax.nn.sigmoid(gi[:, _HID:2 * _HID] + gh[:, _HID:2 * _HID])
    n = jnp.tanh(gi[:, 2 * _HID:] + r * gh[:, 2 * _HID:])
    hxn = (1.0 - z) * n + z * hx
    hx_s[...] = hxn

    dy_ref[...] = jnp.dot(hxn, wdy_ref[...], preferred_element_type=_F32,
                          precision=_PREC) + bdy_ref[...]
    sc_ref[...] = sc_ref[...] + jnp.dot(
        hxn, wsc_ref[...], preferred_element_type=_F32,
        precision=_PREC) + bsc_ref[...]


def _recurrence(lhalf_all, ohs_all, t48, e36, wscft, wih, whh, bih, bhh,
                wdy, bdy, wsc, bsc, hx0, interpret=False):
    full = lambda shape: pl.BlockSpec(shape, lambda i: tuple(0 for _ in shape))
    return pl.pallas_call(
        _gru_body,
        grid=(_SEQ,),
        in_specs=[
            pl.BlockSpec((1, _R, _HID), lambda i: (i, 0, 0)),
            pl.BlockSpec((1, _R, 4, _NB), lambda i: (i, 0, 0, 0)),
            full((_HID, 36 * _HID)),
            full((_NB, 36 * _HID)),
            full((36 * _HID, _HID)),
            full((2 * _HID, 3 * _HID)),
            full((_HID, 3 * _HID)),
            full((1, 3 * _HID)),
            full((1, 3 * _HID)),
            full((_HID, 2 * _SEQ)),
            full((1, 2 * _SEQ)),
            full((_HID, 1)),
            full((1, 1)),
            full((_R, _HID)),
        ],
        out_specs=(
            pl.BlockSpec((_R, 2 * _SEQ), lambda i: (0, 0)),
            pl.BlockSpec((_R, 1), lambda i: (0, 0)),
        ),
        out_shape=(
            jax.ShapeDtypeStruct((_R, 2 * _SEQ), _F32),
            jax.ShapeDtypeStruct((_R, 1), _F32),
        ),
        scratch_shapes=[
            pltpu.VMEM((_R, _HID), _F32),
        ],
        interpret=interpret,
    )(lhalf_all, ohs_all, t48, e36, wscft, wih, whh, bih, bhh,
      wdy, bdy, wsc, bsc, hx0)


def kernel(hx, current_location, y_path, image_data, W_cnn, b_cnn, W_vel,
           b_vel, W_scf, b_scf, W_ih, W_hh, b_ih, b_hh, W_dy, b_dy,
           W_score, b_score):
    f32 = _F32

    xpad = jnp.pad(image_data, ((0, 0), (0, 0), (1, 1), (1, 1)))
    taps = [xpad[:, :, dy:dy + 159:2, dx:dx + 159:2]
            for dy in range(3) for dx in range(3)]
    x9 = jnp.stack(taps, axis=-1)
    x9 = x9.transpose(0, 2, 3, 4, 1).reshape(_NPIX, 36)
    w9 = W_cnn.transpose(2, 3, 1, 0).reshape(36, 32)

    pxa = y_path[..., 0].reshape(-1, _NA)
    pya = y_path[..., 1].reshape(-1, _NA)
    loc0 = jnp.broadcast_to(current_location[None, :, :], (_K, _BN, 2))
    prev = jnp.concatenate([loc0[:, None, :, :], y_path[:, :-1]], axis=1)

    vel = (y_path - prev) * _HZ
    yfv_full = vel @ W_vel.T + b_vel

    pxt = pxa.T
    pyt = pya.T
    li_list, mf_list = [], []
    for s in (1, 2, 3):
        tx = jnp.concatenate([pxt[s:], pxt[:s]], axis=0)
        ty = jnp.concatenate([pyt[s:], pyt[:s]], axis=0)
        cx = tx - pxt
        cy = ty - pyt
        dist = jnp.sqrt(cx * cx + cy * cy)
        mf_list.append(((dist <= _RMAX) & (dist >= _RMIN)).astype(f32))
        dd = jnp.where(dist < 1e-10, 1e-10, dist)
        theta = jnp.arccos(jnp.clip(cx / dd, -1.0, 1.0))
        theta = jnp.where(cy < -0.01, 2.0 * math.pi - theta, theta)
        ub = jnp.clip(((dist - _RMIN) / _RSTEP).astype(jnp.int32), 0, _SPR - 1)
        vb = jnp.clip((theta / _TSTEP).astype(jnp.int32), 0, _SPT - 1)
        li_list.append(ub * _SPT + vb)
    li_all = jnp.stack(li_list)
    mf_all = jnp.stack(mf_list)

    ftab = _conv_feature_table(x9, w9, b_cnn.reshape(1, 32))
    oh1, oh2, oh3, den, pix = _geometry(
        li_all, mf_all,
        y_path[..., 0].reshape(1, _NGAT), y_path[..., 1].reshape(1, _NGAT))

    ohs_all = jnp.stack([oh1, oh2, oh3, den], axis=0)
    ohs_all = (ohs_all.reshape(4, _NA, _NB, _K, _SEQ, _BATCH)
               .transpose(4, 1, 3, 5, 0, 2).reshape(_SEQ, _R, 4, _NB))
    yfv_all = (yfv_full.reshape(_K, _SEQ, _BATCH, _NA, 16)
               .transpose(1, 3, 0, 2, 4).reshape(_SEQ, _R, 16))
    pix_flat = (pix.reshape(_K, _SEQ, _BATCH, _NA)
                .transpose(1, 3, 0, 2).reshape(_NGAT))

    feats = _sc_gather(ftab, pix_flat)
    lhalf_all = jnp.concatenate(
        [feats[:, :32].reshape(_SEQ, _R, 32), yfv_all], axis=2)

    t48 = jnp.tile(jnp.eye(_HID, dtype=f32), (1, _NB))
    e36 = jnp.repeat(jnp.eye(_NB, dtype=f32), _HID, axis=1)
    bih_eff = (b_ih + W_ih[:, _HID:2 * _HID] @ b_scf).reshape(1, 3 * _HID)

    hx0p = jnp.broadcast_to(
        hx.reshape(_BATCH, _NA, _HID).transpose(1, 0, 2)
        .reshape(_NA, 1, _BATCH, _HID), (_NA, _K, _BATCH, _HID)
    ).reshape(_R, _HID)

    dy_flat, sc_flat = _recurrence(
        lhalf_all, ohs_all, t48, e36, W_scf.T,
        W_ih.T, W_hh.T, bih_eff, b_hh.reshape(1, 3 * _HID),
        W_dy.T, b_dy.reshape(1, 2 * _SEQ), W_score.T, b_score.reshape(1, 1),
        hx0p)

    dy_r = (dy_flat.reshape(_NA, _K, _BATCH, 2 * _SEQ)
            .transpose(1, 2, 0, 3).reshape(_K, _BN, 2 * _SEQ))
    deltaY = dy_r.reshape(_K, _BN, 2, _SEQ).transpose(0, 3, 1, 2)
    score = (sc_flat.reshape(_NA, _K, _BATCH, 1)
             .transpose(1, 2, 0, 3).reshape(_K, _BN, 1))
    return (deltaY, score)

# --- scband reference (transcript-rebuilt; emitter-appended) ---
"""Pipeline reference for scband-refine-model-42056319762453 (READ-ONLY COPY).

The authoritative reference and input builder live on the scoring server;
editing this copy changes nothing except your own understanding.
"""

import jax, jax.numpy as jnp
import numpy as np
import math

K = 4
BATCH = 16
N_AGENTS = 4
BN = BATCH * N_AGENTS
HZ = 10.0
SEQ = 40
SP_R = 6
SP_T = 6
R_MIN = 0.5
R_MAX = 4.0
R_STEP = (R_MAX - R_MIN) / SP_R
T_STEP = 2.0 * math.pi / SP_T
HID = 48


def setup_inputs(seed: int = 0):
    key = jax.random.key(seed)
    ks = jax.random.split(key, 16)
    s = 0.05
    inp = {}
    inp['hx'] = jax.random.normal(ks[0], (BN, HID), dtype=jnp.float32)
    inp['current_location'] = jax.random.uniform(ks[1], (BN, 2), dtype=jnp.float32, minval=0.0, maxval=80.0)
    inp['y_path'] = jax.random.uniform(ks[2], (K, SEQ, BN, 2), dtype=jnp.float32, minval=0.0, maxval=80.0)
    inp['image_data'] = jax.random.normal(ks[3], (BATCH, 4, 160, 160), dtype=jnp.float32)
    inp['W_cnn'] = jax.random.normal(ks[4], (32, 4, 3, 3), dtype=jnp.float32) * s
    inp['b_cnn'] = jnp.zeros((32,), dtype=jnp.float32)
    inp['W_vel'] = jax.random.normal(ks[5], (16, 2), dtype=jnp.float32) * s
    inp['b_vel'] = jnp.zeros((16,), dtype=jnp.float32)
    inp['W_scf'] = jax.random.normal(ks[6], (HID, SP_R * SP_T * HID), dtype=jnp.float32) * s
    inp['b_scf'] = jnp.zeros((HID,), dtype=jnp.float32)
    inp['W_ih'] = jax.random.normal(ks[7], (3 * HID, 2 * HID), dtype=jnp.float32) * s
    inp['W_hh'] = jax.random.normal(ks[8], (3 * HID, HID), dtype=jnp.float32) * s
    inp['b_ih'] = jnp.zeros((3 * HID,), dtype=jnp.float32)
    inp['b_hh'] = jnp.zeros((3 * HID,), dtype=jnp.float32)
    inp['W_dy'] = jax.random.normal(ks[9], (2 * SEQ, HID), dtype=jnp.float32) * s
    inp['b_dy'] = jnp.zeros((2 * SEQ,), dtype=jnp.float32)
    inp['W_score'] = jax.random.normal(ks[10], (1, HID), dtype=jnp.float32) * s
    inp['b_score'] = jnp.zeros((1,), dtype=jnp.float32)
    return inp


def _conv(x, W, b):
    y = jax.lax.conv_general_dilated(x, W, window_strides=(2, 2), padding=((1, 1), (1, 1)), dimension_numbers=('NCHW', 'OIHW', 'NCHW'))
    return jax.nn.relu(y + b[None, :, None, None])


def _gru(x, h, W_ih, W_hh, b_ih, b_hh):
    gi = x @ W_ih.T + b_ih
    gh = h @ W_hh.T + b_hh
    i_r, i_z, i_n = jnp.split(gi, 3, axis=1)
    h_r, h_z, h_n = jnp.split(gh, 3, axis=1)
    r = jax.nn.sigmoid(i_r + h_r)
    z = jax.nn.sigmoid(i_z + h_z)
    n = jnp.tanh(i_n + r * h_n)
    return (1.0 - z) * n + z * h


def _scf(path_t, yfv_t, feature_map, hidden):
    Hh = feature_map.shape[2]
    Ww = feature_map.shape[3]
    f_map = jnp.tile(feature_map, (K, 1, 1, 1))
    kb = jnp.arange(K * BATCH)
    hx_list = []
    sps_list = []
    for j in range(N_AGENTS):
        loc_agent = path_t[:, j::N_AGENTS, :]
        u = jnp.clip(Hh // 2 - loc_agent[:, :, 1].reshape(K * BATCH).astype(jnp.int32), 0, Hh - 1)
        v = jnp.clip(loc_agent[:, :, 0].reshape(K * BATCH).astype(jnp.int32), 0, Ww - 1)
        feature_agent = f_map[kb, :, u, v].reshape(K, BATCH, 32)
        sp = jnp.zeros((K, BATCH, SP_R * SP_T, HID), dtype=jnp.float32)
        sp_c = jnp.zeros((K, BATCH, SP_R * SP_T), dtype=jnp.float32)
        for t in range(N_AGENTS):
            if t == j:
                continue
            loc = jax.lax.stop_gradient(path_t[:, t::N_AGENTS, :])
            dist = jax.lax.stop_gradient(jnp.linalg.norm(loc - loc_agent, axis=2))
            mask = ((dist <= R_MAX) & (dist >= R_MIN)).astype(jnp.float32)
            c = jax.lax.stop_gradient(loc - loc_agent)
            dd = jnp.linalg.norm(c, axis=2)
            dd = jnp.where(dd < 1e-10, 1e-10, dd)
            theta = jnp.arccos(jnp.clip(c[:, :, 0] / dd, -1.0, 1.0))
            theta = jnp.where(c[:, :, 1] < -0.01, 2.0 * math.pi - theta, theta)
            ub = jnp.clip(((dist - R_MIN) / R_STEP).astype(jnp.int32), 0, SP_R - 1)
            vb = jnp.clip((theta / T_STEP).astype(jnp.int32), 0, SP_T - 1)
            loc_index = ub * SP_T + vb
            onehot = jax.nn.one_hot(loc_index, SP_R * SP_T, dtype=jnp.float32) * mask[:, :, None]
            hid = hidden[jnp.arange(BATCH) * N_AGENTS + t]
            sp = sp + onehot[:, :, :, None] * hid[None, :, None, :]
            sp_c = sp_c + onehot
        sp_c = jnp.where(sp_c == 0.0, 1.0, sp_c)
        sp = sp / sp_c[:, :, :, None]
        sps_list.append(sp.reshape(K, BATCH, SP_R * SP_T * HID))
        hx_list.append(jnp.concatenate((feature_agent, yfv_t[:, j::N_AGENTS, :]), axis=2))
    lhalf = jnp.stack(hx_list).transpose(1, 2, 0, 3).reshape(K, BN, HID)
    sps = jnp.stack(sps_list).transpose(1, 2, 0, 3).reshape(K, BN, SP_R * SP_T * HID)
    return lhalf, sps


def _forward(hx, current_location, y_path, image_data, W_cnn, b_cnn, W_vel, b_vel, W_scf, b_scf, W_ih, W_hh, b_ih, b_hh, W_dy, b_dy, W_score, b_score):
    bn = hx.shape[0]
    hx_ = jnp.tile(hx, (K, 1))
    seq = y_path.shape[1]
    feature_map = _conv(image_data, W_cnn, b_cnn)
    loc0 = jnp.broadcast_to(current_location[None, :, :], (K, bn, 2))
    prev = jnp.concatenate([loc0[:, None, :, :], y_path[:, :-1]], axis=1)
    vel = jax.lax.stop_gradient((y_path - prev) * HZ)
    y_fv = vel @ W_vel.T + b_vel
    hiddens = []
    for it in range(seq):
        lhalf, sps = _scf(y_path[:, it], y_fv[:, it], feature_map, hx_)
        rhalf = sps @ W_scf.T + b_scf
        x_i = jnp.concatenate((lhalf, rhalf), axis=2).reshape(K * bn, 2 * HID)
        hx_ = _gru(x_i, hx_, W_ih, W_hh, b_ih, b_hh)
        hiddens.append(hx_)
    deltaY = (hx_ @ W_dy.T + b_dy).reshape(K, bn, 2, seq).transpose(0, 3, 1, 2)
    stacked = jnp.stack(hiddens)
    score = jnp.sum(stacked @ W_score.T + b_score, axis=0).reshape(K, bn, 1)
    return (deltaY, score)


def reference(hx, current_location, y_path, image_data, W_cnn, b_cnn, W_vel, b_vel, W_scf, b_scf, W_ih, W_hh, b_ih, b_hh, W_dy, b_dy, W_score, b_score):
    return _forward(hx, current_location, y_path, image_data, W_cnn, b_cnn, W_vel, b_vel, W_scf, b_scf, W_ih, W_hh, b_ih, b_hh, W_dy, b_dy, W_score, b_score)

if __name__ == "__main__":
    import jax
    _d = setup_inputs()
    print(jax.jit(kernel)(*tuple(_d.values())))

</pallas_src>

<mosaic_0001>
#map = affine_map<(d0, d1) -> (0, 0)>
#map1 = affine_map<(d0, d1) -> (0)>
module attributes {stable_mosaic.version = 14 : i64} {
  func.func @gather_k(%arg0: i32, %arg1: i32, %arg2: memref<102400x128xf32, #tpu.memory_space<hbm>>, %arg3: memref<10240xi32, #tpu.memory_space<hbm>>, %arg4: memref<10240x128xf32, #tpu.memory_space<hbm>>, %arg5: memref<320xi32, #tpu.memory_space<vmem>>, %arg6: memref<320x128xf32, #tpu.memory_space<vmem>>, %arg7: memref<!tpu.dma_semaphore, #tpu.memory_space<semaphore_mem>>) attributes {dimension_semantics = [#tpu.dimension_semantics<core_parallel>, #tpu.dimension_semantics<subcore_parallel>], iteration_bounds = array<i64: 2, 16>, scalar_prefetch = 0 : i64, scratch_operands = 3 : i64, tpu.core_type = #tpu.core_type<sc_vector_subcore>, window_params = [{transform_indices = #map}, {transform_indices = #map1}, {transform_indices = #map}]} {
    %mul3A = arith.constant 2 : i32
    %mul3A_0 = arith.muli %arg1, %mul3A : i32
    %add3A = arith.addi %mul3A_0, %arg0 : i32
    %mul3A_1 = arith.constant 320 : i32
    %mul3A_2 = arith.muli %add3A, %mul3A_1 : i32
    "tpu.region"() ({
      %run_scoped3A = tpu.sem_alloc : memref<!tpu.dma_semaphore, #tpu.memory_space<semaphore_mem>>
      %dma_start3A_7 = tpu.memref_slice %arg3[%mul3A_2] : memref<10240xi32, #tpu.memory_space<hbm>> -> memref<320xi32, #tpu.memory_space<hbm>>
      %dma_start3A_8 = tpu.memref_slice %arg3[%mul3A_2] : memref<10240xi32, #tpu.memory_space<hbm>> -> memref<320xi32, #tpu.memory_space<hbm>>
      tpu.enqueue_dma source(%dma_start3A_8 : memref<320xi32, #tpu.memory_space<hbm>>) target(%arg5 : memref<320xi32, #tpu.memory_space<vmem>>) target_semaphore(%run_scoped3A : memref<!tpu.dma_semaphore, #tpu.memory_space<semaphore_mem>>)
      %dma_wait3A_9 = tpu.memref_slice %arg3[%mul3A_2] : memref<10240xi32, #tpu.memory_space<hbm>> -> memref<320xi32, #tpu.memory_space<hbm>>
      %dma_wait3A_10 = tpu.memref_slice %arg3[%mul3A_2] : memref<10240xi32, #tpu.memory_space<hbm>> -> memref<320xi32, #tpu.memory_space<hbm>>
      tpu.wait_dma2 semaphore(%run_scoped3A : memref<!tpu.dma_semaphore, #tpu.memory_space<semaphore_mem>>) src(%dma_wait3A_10 : memref<320xi32, #tpu.memory_space<hbm>>) dst(%arg5 : memref<320xi32, #tpu.memory_space<vmem>>)
      tpu.yield
    }) : () -> ()
    %dma_start3A = arith.constant 0 : i32
    %dma_start3A_3 = arith.constant 0 : i32
    %dma_start3A_4 = tpu.memref_slice %arg2[%dma_start3A, %dma_start3A_3] : memref<102400x128xf32, #tpu.memory_space<hbm>> -> memref<102400x128xf32, #tpu.memory_space<hbm>>
    tpu.enqueue_indirect_dma source(%dma_start3A_4 : memref<102400x128xf32, #tpu.memory_space<hbm>>) target(%arg6 : memref<320x128xf32, #tpu.memory_space<vmem>>) offsets(%arg5 : memref<320xi32, #tpu.memory_space<vmem>>) semaphore(%arg7 : memref<!tpu.dma_semaphore, #tpu.memory_space<semaphore_mem>>)
    %dma_wait3A = arith.constant 0 : i32
    %dma_wait3A_5 = arith.constant 0 : i32
    %dma_wait3A_6 = tpu.memref_slice %arg2[%dma_wait3A, %dma_wait3A_5] : memref<102400x128xf32, #tpu.memory_space<hbm>> -> memref<102400x128xf32, #tpu.memory_space<hbm>>
    tpu.wait_indirect_dma semaphore(%arg7 : memref<!tpu.dma_semaphore, #tpu.memory_space<semaphore_mem>>) src(%dma_wait3A_6 : memref<102400x128xf32, #tpu.memory_space<hbm>>) dst(%arg6 : memref<320x128xf32, #tpu.memory_space<vmem>>)
    "tpu.region"() ({
      %run_scoped3A = tpu.sem_alloc : memref<!tpu.dma_semaphore, #tpu.memory_space<semaphore_mem>>
      %dma_start3A_7 = arith.constant 0 : i32
      %dma_start3A_8 = tpu.memref_slice %arg4[%mul3A_2, %dma_start3A_7] : memref<10240x128xf32, #tpu.memory_space<hbm>> -> memref<320x128xf32, #tpu.memory_space<hbm>>
      %dma_start3A_9 = arith.constant 0 : i32
      %dma_start3A_10 = tpu.memref_slice %arg4[%mul3A_2, %dma_start3A_9] : memref<10240x128xf32, #tpu.memory_space<hbm>> -> memref<320x128xf32, #tpu.memory_space<hbm>>
      tpu.enqueue_dma source(%arg6 : memref<320x128xf32, #tpu.memory_space<vmem>>) target(%dma_start3A_10 : memref<320x128xf32, #tpu.memory_space<hbm>>) target_semaphore(%run_scoped3A : memref<!tpu.dma_semaphore, #tpu.memory_space<semaphore_mem>>)
      %dma_wait3A_11 = arith.constant 0 : i32
      %dma_wait3A_12 = tpu.memref_slice %arg4[%mul3A_2, %dma_wait3A_11] : memref<10240x128xf32, #tpu.memory_space<hbm>> -> memref<320x128xf32, #tpu.memory_space<hbm>>
      %dma_wait3A_13 = arith.constant 0 : i32
      %dma_wait3A_14 = tpu.memref_slice %arg4[%mul3A_2, %dma_wait3A_13] : memref<10240x128xf32, #tpu.memory_space<hbm>> -> memref<320x128xf32, #tpu.memory_space<hbm>>
      tpu.wait_dma2 semaphore(%run_scoped3A : memref<!tpu.dma_semaphore, #tpu.memory_space<semaphore_mem>>) src(%arg6 : memref<320x128xf32, #tpu.memory_space<vmem>>) dst(%dma_wait3A_14 : memref<320x128xf32, #tpu.memory_space<hbm>>)
      tpu.yield
    }) : () -> ()
    return
  }
}

module attributes {stable_mosaic.version = 14 : i64} {
  func.func @_geom_body(%arg0: memref<3x4x2560xi32, #tpu.memory_space<vmem>>, %arg1: memref<3x4x2560xf32, #tpu.memory_space<vmem>>, %arg2: memref<1x10240xf32, #tpu.memory_space<vmem>>, %arg3: memref<1x10240xf32, #tpu.memory_space<vmem>>, %arg4: memref<4x36x2560xf32, #tpu.memory_space<vmem>>, %arg5: memref<4x36x2560xf32, #tpu.memory_space<vmem>>, %arg6: memref<4x36x2560xf32, #tpu.memory_space<vmem>>, %arg7: memref<4x36x2560xf32, #tpu.memory_space<vmem>>, %arg8: memref<1x10240xi32, #tpu.memory_space<vmem>>) attributes {dimension_semantics = [], scalar_prefetch = 0 : i64, scratch_operands = 0 : i64, tpu.core_type = #tpu.core_type<tc>} {
    %iota3A = tpu.iota {dimensions = array<i32: 1>} : vector<4x36x2560xi32>
    %get3A = arith.constant 0 : index
    %get3A_0 = arith.constant 0 : index
    %get3A_1 = arith.constant 0 : index
    %get3A_2 = vector.load %arg0[%get3A, %get3A_0, %get3A_1] : memref<3x4x2560xi32, #tpu.memory_space<vmem>>, vector<1x4x2560xi32>
    %get3A_3 = vector.shape_cast %get3A_2 : vector<1x4x2560xi32> to vector<4x2560xi32>
    %get3A_4 = arith.constant 0 : index
    %get3A_5 = arith.constant 0 : index
    %get3A_6 = arith.constant 0 : index
    %get3A_7 = vector.load %arg1[%get3A_4, %get3A_5, %get3A_6] : memref<3x4x2560xf32, #tpu.memory_space<vmem>>, vector<1x4x2560xf32>
    %get3A_8 = vector.shape_cast %get3A_7 : vector<1x4x2560xf32> to vector<4x2560xf32>
    %broadcast_in_dim3A = vector.shape_cast %get3A_3 : vector<4x2560xi32> to vector<4x1x2560xi32>
    %eq3A = vector.broadcast %broadcast_in_dim3A : vector<4x1x2560xi32> to vector<4x36x2560xi32>
    %eq3A_9 = arith.cmpi eq, %eq3A, %iota3A : vector<4x36x2560xi32>
    %jit3A = arith.constant 1.000000e+00 : f32
    %jit3A_10 = arith.constant 0.000000e+00 : f32
    %broadcast_in_dim3A_11 = vector.broadcast %jit3A : f32 to vector<4x36x2560xf32>
    %broadcast_in_dim3A_12 = vector.broadcast %jit3A_10 : f32 to vector<4x36x2560xf32>
    %select_n3A = arith.select %eq3A_9, %broadcast_in_dim3A_11, %broadcast_in_dim3A_12 : vector<4x36x2560xi1>, vector<4x36x2560xf32>
    %broadcast_in_dim3A_13 = vector.shape_cast %get3A_8 : vector<4x2560xf32> to vector<4x1x2560xf32>
    %mul3A = vector.broadcast %broadcast_in_dim3A_13 : vector<4x1x2560xf32> to vector<4x36x2560xf32>
    %mul3A_14 = arith.mulf %select_n3A, %mul3A : vector<4x36x2560xf32>
    %get3A_15 = arith.constant 1 : index
    %get3A_16 = arith.constant 0 : index
    %get3A_17 = arith.constant 0 : index
    %get3A_18 = vector.load %arg0[%get3A_15, %get3A_16, %get3A_17] : memref<3x4x2560xi32, #tpu.memory_space<vmem>>, vector<1x4x2560xi32>
    %get3A_19 = vector.shape_cast %get3A_18 : vector<1x4x2560xi32> to vector<4x2560xi32>
    %get3A_20 = arith.constant 1 : index
    %get3A_21 = arith.constant 0 : index
    %get3A_22 = arith.constant 0 : index
    %get3A_23 = vector.load %arg1[%get3A_20, %get3A_21, %get3A_22] : memref<3x4x2560xf32, #tpu.memory_space<vmem>>, vector<1x4x2560xf32>
    %get3A_24 = vector.shape_cast %get3A_23 : vector<1x4x2560xf32> to vector<4x2560xf32>
    %broadcast_in_dim3A_25 = vector.shape_cast %get3A_19 : vector<4x2560xi32> to vector<4x1x2560xi32>
    %eq3A_26 = vector.broadcast %broadcast_in_dim3A_25 : vector<4x1x2560xi32> to vector<4x36x2560xi32>
    %eq3A_27 = arith.cmpi eq, %eq3A_26, %iota3A : vector<4x36x2560xi32>
    %jit3A_28 = arith.constant 1.000000e+00 : f32
    %jit3A_29 = arith.constant 0.000000e+00 : f32
    %broadcast_in_dim3A_30 = vector.broadcast %jit3A_28 : f32 to vector<4x36x2560xf32>
    %broadcast_in_dim3A_31 = vector.broadcast %jit3A_29 : f32 to vector<4x36x2560xf32>
    %select_n3A_32 = arith.select %eq3A_27, %broadcast_in_dim3A_30, %broadcast_in_dim3A_31 : vector<4x36x2560xi1>, vector<4x36x2560xf32>
    %broadcast_in_dim3A_33 = vector.shape_cast %get3A_24 : vector<4x2560xf32> to vector<4x1x2560xf32>
    %mul3A_34 = vector.broadcast %broadcast_in_dim3A_33 : vector<4x1x2560xf32> to vector<4x36x2560xf32>
    %mul3A_35 = arith.mulf %select_n3A_32, %mul3A_34 : vector<4x36x2560xf32>
    %get3A_36 = arith.constant 2 : index
    %get3A_37 = arith.constant 0 : index
    %get3A_38 = arith.constant 0 : index
    %get3A_39 = vector.load %arg0[%get3A_36, %get3A_37, %get3A_38] : memref<3x4x2560xi32, #tpu.memory_space<vmem>>, vector<1x4x2560xi32>
    %get3A_40 = vector.shape_cast %get3A_39 : vector<1x4x2560xi32> to vector<4x2560xi32>
    %get3A_41 = arith.constant 2 : index
    %get3A_42 = arith.constant 0 : index
    %get3A_43 = arith.constant 0 : index
    %get3A_44 = vector.load %arg1[%get3A_41, %get3A_42, %get3A_43] : memref<3x4x2560xf32, #tpu.memory_space<vmem>>, vector<1x4x2560xf32>
    %get3A_45 = vector.shape_cast %get3A_44 : vector<1x4x2560xf32> to vector<4x2560xf32>
    %broadcast_in_dim3A_46 = vector.shape_cast %get3A_40 : vector<4x2560xi32> to vector<4x1x2560xi32>
    %eq3A_47 = vector.broadcast %broadcast_in_dim3A_46 : vector<4x1x2560xi32> to vector<4x36x2560xi32>
    %eq3A_48 = arith.cmpi eq, %eq3A_47, %iota3A : vector<4x36x2560xi32>
    %jit3A_49 = arith.constant 1.000000e+00 : f32
    %jit3A_50 = arith.constant 0.000000e+00 : f32
    %broadcast_in_dim3A_51 = vector.broadcast %jit3A_49 : f32 to vector<4x36x2560xf32>
    %broadcast_in_dim3A_52 = vector.broadcast %jit3A_50 : f32 to vector<4x36x2560xf32>
    %select_n3A_53 = arith.select %eq3A_48, %broadcast_in_dim3A_51, %broadcast_in_dim3A_52 : vector<4x36x2560xi1>, vector<4x36x2560xf32>
    %broadcast_in_dim3A_54 = vector.shape_cast %get3A_45 : vector<4x2560xf32> to vector<4x1x2560xf32>
    %mul3A_55 = vector.broadcast %broadcast_in_dim3A_54 : vector<4x1x2560xf32> to vector<4x36x2560xf32>
    %mul3A_56 = arith.mulf %select_n3A_53, %mul3A_55 : vector<4x36x2560xf32>
    %add3A = arith.addf %mul3A_14, %mul3A_35 : vector<4x36x2560xf32>
    %add3A_57 = arith.addf %add3A, %mul3A_56 : vector<4x36x2560xf32>
    %eq3A_58 = arith.constant 0.000000e+00 : f32
    %eq3A_59 = vector.broadcast %eq3A_58 : f32 to vector<4x36x2560xf32>
    %eq3A_60 = arith.cmpf oeq, %add3A_57, %eq3A_59 : vector<4x36x2560xf32>
    %jit3A_61 = arith.constant 1.000000e+00 : f32
    %broadcast_in_dim3A_62 = vector.broadcast %jit3A_61 : f32 to vector<4x36x2560xf32>
    %select_n3A_63 = arith.select %eq3A_60, %broadcast_in_dim3A_62, %add3A_57 : vector<4x36x2560xi1>, vector<4x36x2560xf32>
    %swap3A = arith.constant 0 : index
    %swap3A_64 = arith.constant 0 : index
    %swap3A_65 = arith.constant 0 : index
    %swap3A_66 = vector.load %arg7[%swap3A, %swap3A_64, %swap3A_65] : memref<4x36x2560xf32, #tpu.memory_space<vmem>>, vector<4x36x2560xf32>
    tpu.vector_store %arg7[%swap3A, %swap3A_64, %swap3A_65], %select_n3A_63 {strides = array<i32>} : memref<4x36x2560xf32, #tpu.memory_space<vmem>>, vector<4x36x2560xf32>,
    %swap3A_67 = arith.constant 0 : index
    %swap3A_68 = arith.constant 0 : index
    %swap3A_69 = arith.constant 0 : index
    %swap3A_70 = vector.load %arg4[%swap3A_67, %swap3A_68, %swap3A_69] : memref<4x36x2560xf32, #tpu.memory_space<vmem>>, vector<4x36x2560xf32>
    tpu.vector_store %arg4[%swap3A_67, %swap3A_68, %swap3A_69], %mul3A_14 {strides = array<i32>} : memref<4x36x2560xf32, #tpu.memory_space<vmem>>, vector<4x36x2560xf32>,
    %swap3A_71 = arith.constant 0 : index
    %swap3A_72 = arith.constant 0 : index
    %swap3A_73 = arith.constant 0 : index
    %swap3A_74 = vector.load %arg5[%swap3A_71, %swap3A_72, %swap3A_73] : memref<4x36x2560xf32, #tpu.memory_space<vmem>>, vector<4x36x2560xf32>
    tpu.vector_store %arg5[%swap3A_71, %swap3A_72, %swap3A_73], %mul3A_35 {strides = array<i32>} : memref<4x36x2560xf32, #tpu.memory_space<vmem>>, vector<4x36x2560xf32>,
    %swap3A_75 = arith.constant 0 : index
    %swap3A_76 = arith.constant 0 : index
    %swap3A_77 = arith.constant 0 : index
    %swap3A_78 = vector.load %arg6[%swap3A_75, %swap3A_76, %swap3A_77] : memref<4x36x2560xf32, #tpu.memory_space<vmem>>, vector<4x36x2560xf32>
    tpu.vector_store %arg6[%swap3A_75, %swap3A_76, %swap3A_77], %mul3A_56 {strides = array<i32>} : memref<4x36x2560xf32, #tpu.memory_space<vmem>>, vector<4x36x2560xf32>,
    %get3A_79 = arith.constant 0 : index
    %get3A_80 = arith.constant 0 : index
    %get3A_81 = vector.load %arg2[%get3A_79, %get3A_80] : memref<1x10240xf32, #tpu.memory_space<vmem>>, vector<1x10240xf32>
    %get3A_82 = arith.constant 0 : index
    %get3A_83 = arith.constant 0 : index
    %get3A_84 = vector.load %arg3[%get3A_82, %get3A_83] : memref<1x10240xf32, #tpu.memory_space<vmem>>, vector<1x10240xf32>
    %convert_element_type3A = arith.fptosi %get3A_84 : vector<1x10240xf32> to vector<1x10240xi32>
    %sub3A = arith.constant 40 : i32
    %sub3A_85 = vector.broadcast %sub3A : i32 to vector<1x10240xi32>
    %sub3A_86 = arith.subi %sub3A_85, %convert_element_type3A : vector<1x10240xi32>
    %jit3A_87 = arith.constant 0 : i32
    %jit3A_88 = arith.constant 79 : i32
    %max3A = vector.broadcast %jit3A_87 : i32 to vector<1x10240xi32>
    %max3A_89 = arith.maxsi %max3A, %sub3A_86 : vector<1x10240xi32>
    %min3A = vector.broadcast %jit3A_88 : i32 to vector<1x10240xi32>
    %min3A_90 = arith.minsi %min3A, %max3A_89 : vector<1x10240xi32>
    %convert_element_type3A_91 = arith.fptosi %get3A_81 : vector<1x10240xf32> to vector<1x10240xi32>
    %jit3A_92 = arith.constant 0 : i32
    %jit3A_93 = arith.constant 79 : i32
    %max3A_94 = vector.broadcast %jit3A_92 : i32 to vector<1x10240xi32>
    %max3A_95 = arith.maxsi %max3A_94, %convert_element_type3A_91 : vector<1x10240xi32>
    %min3A_96 = vector.broadcast %jit3A_93 : i32 to vector<1x10240xi32>
    %min3A_97 = arith.minsi %min3A_96, %max3A_95 : vector<1x10240xi32>
    %iota3A_98 = tpu.iota {dimensions = array<i32: 1>} : vector<1x10240xi32>
    %jit3A_99 = arith.constant 4 : i32
    %div3A = vector.broadcast %jit3A_99 : i32 to vector<1x10240xi32>
    %div3A_100 = arith.divsi %iota3A_98, %div3A : vector<1x10240xi32>
    %sign3A = arith.constant 0 : i32
    %sign3A_101 = vector.broadcast %sign3A : i32 to vector<1x10240xi32>
    %sign3A_102 = arith.cmpi sgt, %iota3A_98, %sign3A_101 : vector<1x10240xi32>
    %sign3A_103 = arith.extui %sign3A_102 : vector<1x10240xi1> to vector<1x10240xi32>
    %sign3A_104 = arith.constant 0 : i32
    %sign3A_105 = vector.broadcast %sign3A_104 : i32 to vector<1x10240xi32>
    %sign3A_106 = arith.cmpi slt, %iota3A_98, %sign3A_105 : vector<1x10240xi32>
    %sign3A_107 = arith.extui %sign3A_106 : vector<1x10240xi1> to vector<1x10240xi32>
    %sign3A_108 = arith.subi %sign3A_103, %sign3A_107 : vector<1x10240xi32>
    %sign3A_109 = arith.constant 0 : i32
    %sign3A_110 = arith.cmpi sgt, %jit3A_99, %sign3A_109 : i32
    %sign3A_111 = arith.extui %sign3A_110 : i1 to i32
    %sign3A_112 = arith.constant 0 : i32
    %sign3A_113 = arith.cmpi slt, %jit3A_99, %sign3A_112 : i32
    %sign3A_114 = arith.extui %sign3A_113 : i1 to i32
    %sign3A_115 = arith.subi %sign3A_111, %sign3A_114 : i32
    %ne3A = vector.broadcast %sign3A_115 : i32 to vector<1x10240xi32>
    %ne3A_116 = arith.cmpi ne, %sign3A_108, %ne3A : vector<1x10240xi32>
    %rem3A = vector.broadcast %jit3A_99 : i32 to vector<1x10240xi32>
    %rem3A_117 = arith.remsi %iota3A_98, %rem3A : vector<1x10240xi32>
    %ne3A_118 = arith.constant 0 : i32
    %ne3A_119 = vector.broadcast %ne3A_118 : i32 to vector<1x10240xi32>
    %ne3A_120 = arith.cmpi ne, %rem3A_117, %ne3A_119 : vector<1x10240xi32>
    %and3A = arith.andi %ne3A_116, %ne3A_120 : vector<1x10240xi1>
    %sub3A_121 = arith.constant 1 : i32
    %sub3A_122 = vector.broadcast %sub3A_121 : i32 to vector<1x10240xi32>
    %sub3A_123 = arith.subi %div3A_100, %sub3A_122 : vector<1x10240xi32>
    %select_n3A_124 = arith.select %and3A, %sub3A_123, %div3A_100 : vector<1x10240xi1>, vector<1x10240xi32>
    %jit3A_125 = arith.constant 16 : i32
    %eq3A_126 = arith.constant 0 : i32
    %eq3A_127 = arith.cmpi eq, %jit3A_125, %eq3A_126 : i32
    %jit3A_128 = arith.constant 1 : i32
    %select_n3A_129 = arith.select %eq3A_127, %jit3A_128, %jit3A_125 : i32
    %rem3A_130 = vector.broadcast %select_n3A_129 : i32 to vector<1x10240xi32>
    %rem3A_131 = arith.remsi %select_n3A_124, %rem3A_130 : vector<1x10240xi32>
    %ne3A_132 = arith.constant 0 : i32
    %ne3A_133 = vector.broadcast %ne3A_132 : i32 to vector<1x10240xi32>
    %ne3A_134 = arith.cmpi ne, %rem3A_131, %ne3A_133 : vector<1x10240xi32>
    %lt3A = arith.constant 0 : i32
    %lt3A_135 = vector.broadcast %lt3A : i32 to vector<1x10240xi32>
    %lt3A_136 = arith.cmpi slt, %rem3A_131, %lt3A_135 : vector<1x10240xi32>
    %lt3A_137 = arith.constant 0 : i32
    %lt3A_138 = arith.cmpi slt, %select_n3A_129, %lt3A_137 : i32
    %ne3A_139 = vector.broadcast %lt3A_138 : i1 to vector<1x10240xi1>
    %ne3A_140 = vector.broadcast %ne3A_139 : vector<1x10240xi1> to vector<1x10240xi1>
    %ne3A_141 = arith.xori %lt3A_136, %ne3A_140 : vector<1x10240xi1>
    %and3A_142 = arith.andi %ne3A_141, %ne3A_134 : vector<1x10240xi1>
    %add3A_143 = vector.broadcast %select_n3A_129 : i32 to vector<1x10240xi32>
    %add3A_144 = arith.addi %rem3A_131, %add3A_143 : vector<1x10240xi32>
    %select_n3A_145 = arith.select %and3A_142, %add3A_144, %rem3A_131 : vector<1x10240xi1>, vector<1x10240xi32>
    %mul3A_146 = arith.constant 6400 : i32
    %mul3A_147 = vector.broadcast %mul3A_146 : i32 to vector<1x10240xi32>
    %mul3A_148 = arith.muli %select_n3A_145, %mul3A_147 : vector<1x10240xi32>
    %mul3A_149 = arith.constant 80 : i32
    %mul3A_150 = vector.broadcast %mul3A_149 : i32 to vector<1x10240xi32>
    %mul3A_151 = arith.muli %min3A_90, %mul3A_150 : vector<1x10240xi32>
    %add3A_152 = arith.addi %mul3A_148, %mul3A_151 : vector<1x10240xi32>
    %add3A_153 = arith.addi %add3A_152, %min3A_97 : vector<1x10240xi32>
    %swap3A_154 = arith.constant 0 : index
    %swap3A_155 = arith.constant 0 : index
    %swap3A_156 = vector.load %arg8[%swap3A_154, %swap3A_155] : memref<1x10240xi32, #tpu.memory_space<vmem>>, vector<1x10240xi32>
    tpu.vector_store %arg8[%swap3A_154, %swap3A_155], %add3A_153 {strides = array<i32>} : memref<1x10240xi32, #tpu.memory_space<vmem>>, vector<1x10240xi32>,
    return
  }
}

module attributes {stable_mosaic.version = 14 : i64} {
  func.func @_conv_body(%arg0: i32, %arg1: memref<12800x36xf32, #tpu.memory_space<vmem>>, %arg2: memref<36x32xf32, #tpu.memory_space<vmem>>, %arg3: memref<1x32xf32, #tpu.memory_space<vmem>>, %arg4: memref<12800x128xf32, #tpu.memory_space<vmem>>) attributes {dimension_semantics = [#tpu.dimension_semantics<arbitrary>], iteration_bounds = array<i64: 8>, scalar_prefetch = 0 : i64, scratch_operands = 0 : i64, tpu.core_type = #tpu.core_type<tc>, window_params = [{transform_indices = @transform_0, window_bounds = array<i64: 12800, 36>}, {pipeline_mode = #tpu.pipeline_mode<synchronous>, transform_indices = @transform_1, window_bounds = array<i64: 36, 32>}, {pipeline_mode = #tpu.pipeline_mode<synchronous>, transform_indices = @transform_2, window_bounds = array<i64: 1, 32>}, {transform_indices = @transform_3, window_bounds = array<i64: 12800, 128>}]} {
    %get3A = arith.constant 0 : index
    %get3A_0 = arith.constant 0 : index
    %get3A_1 = vector.load %arg1[%get3A, %get3A_0] : memref<12800x36xf32, #tpu.memory_space<vmem>>, vector<12800x36xf32>
    %get3A_2 = arith.constant 0 : index
    %get3A_3 = arith.constant 0 : index
    %get3A_4 = vector.load %arg2[%get3A_2, %get3A_3] : memref<36x32xf32, #tpu.memory_space<vmem>>, vector<36x32xf32>
    %dot_general3A = arith.constant dense<0.000000e+00> : vector<12800x32xf32>
    %dot_general3A_5 = tpu.matmul %get3A_1, %get3A_4, %dot_general3A {dimension_numbers = #tpu.dot_dimension_numbers<[1], [0], [0], [1], [0, 0, 1, 1], [], []>, transpose_lhs_hint = false} : vector<12800x36xf32>, vector<36x32xf32>, vector<12800x32xf32> -> vector<12800x32xf32>
    %get3A_6 = arith.constant 0 : index
    %get3A_7 = arith.constant 0 : index
    %get3A_8 = vector.load %arg3[%get3A_6, %get3A_7] : memref<1x32xf32, #tpu.memory_space<vmem>>, vector<1x32xf32>
    %add3A = vector.broadcast %get3A_8 : vector<1x32xf32> to vector<12800x32xf32>
    %add3A_9 = arith.addf %dot_general3A_5, %add3A : vector<12800x32xf32>
    %max3A = arith.constant 0.000000e+00 : f32
    %max3A_10 = vector.broadcast %max3A : f32 to vector<12800x32xf32>
    %max3A_11 = arith.maximumf %add3A_9, %max3A_10 : vector<12800x32xf32>
    %broadcast_in_dim3A = arith.constant 0.000000e+00 : f32
    %broadcast_in_dim3A_12 = vector.broadcast %broadcast_in_dim3A : f32 to vector<12800x96xf32>
    %concatenate3A = tpu.concatenate %max3A_11, %broadcast_in_dim3A_12 in 1 : vector<12800x32xf32>, vector<12800x96xf32> -> vector<12800x128xf32>
    %swap3A = arith.constant 0 : index
    %swap3A_13 = arith.constant 0 : index
    %swap3A_14 = vector.load %arg4[%swap3A, %swap3A_13] : memref<12800x128xf32, #tpu.memory_space<vmem>>, vector<12800x128xf32>
    tpu.vector_store %arg4[%swap3A, %swap3A_13], %concatenate3A {strides = array<i32>} : memref<12800x128xf32, #tpu.memory_space<vmem>>, vector<12800x128xf32>,
    return
  }
  func.func @transform_0(%arg0: i32) -> (i32, i32) {
    %c0_i32 = arith.constant 0 : i32
    %c0_i32_0 = arith.constant 0 : i32
    return %arg0, %c0_i32 : i32, i32
  }
  func.func @transform_1(%arg0: i32) -> (i32, i32) {
    %c0_i32 = arith.constant 0 : i32
    %c0_i32_0 = arith.constant 0 : i32
    %c0_i32_1 = arith.constant 0 : i32
    return %c0_i32, %c0_i32_0 : i32, i32
  }
  func.func @transform_2(%arg0: i32) -> (i32, i32) {
    %c0_i32 = arith.constant 0 : i32
    %c0_i32_0 = arith.constant 0 : i32
    %c0_i32_1 = arith.constant 0 : i32
    return %c0_i32, %c0_i32_0 : i32, i32
  }
  func.func @transform_3(%arg0: i32) -> (i32, i32) {
    %c0_i32 = arith.constant 0 : i32
    %c0_i32_0 = arith.constant 0 : i32
    return %arg0, %c0_i32 : i32, i32
  }
}

module attributes {stable_mosaic.version = 14 : i64} {
  func.func @_gru_body(%arg0: i32, %arg1: memref<1x256x48xf32, #tpu.memory_space<vmem>>, %arg2: memref<1x256x4x36xf32, #tpu.memory_space<vmem>>, %arg3: memref<48x1728xf32, #tpu.memory_space<vmem>>, %arg4: memref<36x1728xf32, #tpu.memory_space<vmem>>, %arg5: memref<1728x48xf32, #tpu.memory_space<vmem>>, %arg6: memref<96x144xf32, #tpu.memory_space<vmem>>, %arg7: memref<48x144xf32, #tpu.memory_space<vmem>>, %arg8: memref<1x144xf32, #tpu.memory_space<vmem>>, %arg9: memref<1x144xf32, #tpu.memory_space<vmem>>, %arg10: memref<48x80xf32, #tpu.memory_space<vmem>>, %arg11: memref<1x80xf32, #tpu.memory_space<vmem>>, %arg12: memref<48x1xf32, #tpu.memory_space<vmem>>, %arg13: memref<1x1xf32, #tpu.memory_space<vmem>>, %arg14: memref<256x48xf32, #tpu.memory_space<vmem>>, %arg15: memref<256x80xf32, #tpu.memory_space<vmem>>, %arg16: memref<256x1xf32, #tpu.memory_space<vmem>>, %arg17: memref<256x48xf32, #tpu.memory_space<vmem>>) attributes {dimension_semantics = [#tpu.dimension_semantics<arbitrary>], iteration_bounds = array<i64: 40>, scalar_prefetch = 0 : i64, scratch_operands = 1 : i64, tpu.core_type = #tpu.core_type<tc>, window_params = [{transform_indices = @transform_0, window_bounds = array<i64: 1, 256, 48>}, {transform_indices = @transform_1, window_bounds = array<i64: 1, 256, 4, 36>}, {pipeline_mode = #tpu.pipeline_mode<synchronous>, transform_indices = @transform_2, window_bounds = array<i64: 48, 1728>}, {pipeline_mode = #tpu.pipeline_mode<synchronous>, transform_indices = @transform_3, window_bounds = array<i64: 36, 1728>}, {pipeline_mode = #tpu.pipeline_mode<synchronous>, transform_indices = @transform_4, window_bounds = array<i64: 1728, 48>}, {pipeline_mode = #tpu.pipeline_mode<synchronous>, transform_indices = @transform_5, window_bounds = array<i64: 96, 144>}, {pipeline_mode = #tpu.pipeline_mode<synchronous>, transform_indices = @transform_6, window_bounds = array<i64: 48, 144>}, {pipeline_mode = #tpu.pipeline_mode<synchronous>, transform_indices = @transform_7, window_bounds = array<i64: 1, 144>}, {pipeline_mode = #tpu.pipeline_mode<synchronous>, transform_indices = @transform_8, window_bounds = array<i64: 1, 144>}, {pipeline_mode = #tpu.pipeline_mode<synchronous>, transform_indices = @transform_9, window_bounds = array<i64: 48, 80>}, {pipeline_mode = #tpu.pipeline_mode<synchronous>, transform_indices = @transform_10, window_bounds = array<i64: 1, 80>}, {pipeline_mode = #tpu.pipeline_mode<synchronous>, transform_indices = @transform_11, window_bounds = array<i64: 48, 1>}, {pipeline_mode = #tpu.pipeline_mode<synchronous>, transform_indices = @transform_12, window_bounds = array<i64: 1, 1>}, {pipeline_mode = #tpu.pipeline_mode<synchronous>, transform_indices = @transform_13, window_bounds = array<i64: 256, 48>}, {pipeline_mode = #tpu.pipeline_mode<synchronous>, transform_indices = @transform_14, window_bounds = array<i64: 256, 80>}, {pipeline_mode = #tpu.pipeline_mode<synchronous>, transform_indices = @transform_15, window_bounds = array<i64: 256, 1>}]} {
    %eq3A = arith.constant 0 : i32
    %eq3A_0 = arith.cmpi eq, %arg0, %eq3A : i32
    %convert_element_type3A = arith.extui %eq3A_0 : i1 to i32
    %cond3A = arith.constant 0 : i32
    %cond3A_1 = arith.cmpi ne, %convert_element_type3A, %cond3A : i32
    scf.if %cond3A_1 {
      %get3A_179 = arith.constant 0 : index
      %get3A_180 = arith.constant 0 : index
      %get3A_181 = vector.load %arg14[%get3A_179, %get3A_180] : memref<256x48xf32, #tpu.memory_space<vmem>>, vector<256x48xf32>
      %swap3A_182 = arith.constant 0 : index
      %swap3A_183 = arith.constant 0 : index
      %swap3A_184 = vector.load %arg17[%swap3A_182, %swap3A_183] : memref<256x48xf32, #tpu.memory_space<vmem>>, vector<256x48xf32>
      tpu.vector_store %arg17[%swap3A_182, %swap3A_183], %get3A_181 {strides = array<i32>} : memref<256x48xf32, #tpu.memory_space<vmem>>, vector<256x48xf32>,
      %broadcast_in_dim3A_185 = arith.constant 0.000000e+00 : f32
      %broadcast_in_dim3A_186 = vector.broadcast %broadcast_in_dim3A_185 : f32 to vector<256x1xf32>
      %swap3A_187 = arith.constant 0 : index
      %swap3A_188 = arith.constant 0 : index
      %swap3A_189 = vector.load %arg16[%swap3A_187, %swap3A_188] : memref<256x1xf32, #tpu.memory_space<vmem>>, vector<256x1xf32>
      tpu.vector_store %arg16[%swap3A_187, %swap3A_188], %broadcast_in_dim3A_186 {strides = array<i32>} : memref<256x1xf32, #tpu.memory_space<vmem>>, vector<256x1xf32>,
    } else {
    }
    %get3A = arith.constant 0 : index
    %get3A_2 = arith.constant 0 : index
    %get3A_3 = vector.load %arg17[%get3A, %get3A_2] : memref<256x48xf32, #tpu.memory_space<vmem>>, vector<256x48xf32>
    %slice3A = vector.extract_strided_slice %get3A_3 {offsets = [0, 0], sizes = [16, 48], strides = [1, 1]} : vector<256x48xf32> to vector<16x48xf32>
    %slice3A_4 = vector.extract_strided_slice %get3A_3 {offsets = [64, 0], sizes = [16, 48], strides = [1, 1]} : vector<256x48xf32> to vector<16x48xf32>
    %slice3A_5 = vector.extract_strided_slice %get3A_3 {offsets = [128, 0], sizes = [16, 48], strides = [1, 1]} : vector<256x48xf32> to vector<16x48xf32>
    %slice3A_6 = vector.extract_strided_slice %get3A_3 {offsets = [192, 0], sizes = [16, 48], strides = [1, 1]} : vector<256x48xf32> to vector<16x48xf32>
    %concatenate3A = tpu.concatenate %slice3A, %slice3A_4, %slice3A_5, %slice3A_6 in 0 : vector<16x48xf32>, vector<16x48xf32>, vector<16x48xf32>, vector<16x48xf32> -> vector<64x48xf32>
    %broadcast_in_dim3A = arith.constant 0.000000e+00 : f32
    %broadcast_in_dim3A_7 = vector.broadcast %broadcast_in_dim3A : f32 to vector<256x1728xf32>
    %slice3A_8 = vector.extract_strided_slice %concatenate3A {offsets = [16, 0], sizes = [48, 48], strides = [1, 1]} : vector<64x48xf32> to vector<48x48xf32>
    %slice3A_9 = vector.extract_strided_slice %concatenate3A {offsets = [0, 0], sizes = [16, 48], strides = [1, 1]} : vector<64x48xf32> to vector<16x48xf32>
    %concatenate3A_10 = tpu.concatenate %slice3A_8, %slice3A_9 in 0 : vector<48x48xf32>, vector<16x48xf32> -> vector<64x48xf32>
    %reshape3A = vector.shape_cast %concatenate3A_10 : vector<64x48xf32> to vector<4x1x16x48xf32>
    %broadcast_in_dim3A_11 = vector.shape_cast %reshape3A : vector<4x1x16x48xf32> to vector<4x1x16x48xf32>
    %broadcast_in_dim3A_12 = vector.broadcast %broadcast_in_dim3A_11 : vector<4x1x16x48xf32> to vector<4x4x16x48xf32>
    %reshape3A_13 = vector.shape_cast %broadcast_in_dim3A_12 : vector<4x4x16x48xf32> to vector<256x48xf32>
    %get3A_14 = arith.constant 0 : index
    %get3A_15 = arith.constant 0 : index
    %get3A_16 = vector.load %arg3[%get3A_14, %get3A_15] : memref<48x1728xf32, #tpu.memory_space<vmem>>, vector<48x1728xf32>
    %dot_general3A = arith.constant dense<0.000000e+00> : vector<256x1728xf32>
    %dot_general3A_17 = tpu.matmul %reshape3A_13, %get3A_16, %dot_general3A {dimension_numbers = #tpu.dot_dimension_numbers<[1], [0], [0], [1], [0, 0, 1, 1], [], []>, precision = #tpu.contract_precision<fp32>, transpose_lhs_hint = false} : vector<256x48xf32>, vector<48x1728xf32>, vector<256x1728xf32> -> vector<256x1728xf32>
    %get3A_18 = arith.constant 0 : index
    %get3A_19 = arith.constant 0 : index
    %get3A_20 = arith.constant 0 : index
    %get3A_21 = arith.constant 0 : index
    %get3A_22 = vector.load %arg2[%get3A_18, %get3A_19, %get3A_20, %get3A_21] : memref<1x256x4x36xf32, #tpu.memory_space<vmem>>, vector<1x256x1x36xf32>
    %get3A_23 = vector.shape_cast %get3A_22 : vector<1x256x1x36xf32> to vector<256x36xf32>
    %get3A_24 = arith.constant 0 : index
    %get3A_25 = arith.constant 0 : index
    %get3A_26 = vector.load %arg4[%get3A_24, %get3A_25] : memref<36x1728xf32, #tpu.memory_space<vmem>>, vector<36x1728xf32>
    %dot_general3A_27 = arith.constant dense<0.000000e+00> : vector<256x1728xf32>
    %dot_general3A_28 = tpu.matmul %get3A_23, %get3A_26, %dot_general3A_27 {dimension_numbers = #tpu.dot_dimension_numbers<[1], [0], [0], [1], [0, 0, 1, 1], [], []>, precision = #tpu.contract_precision<fp32>, transpose_lhs_hint = false} : vector<256x36xf32>, vector<36x1728xf32>, vector<256x1728xf32> -> vector<256x1728xf32>
    %mul3A = arith.mulf %dot_general3A_28, %dot_general3A_17 : vector<256x1728xf32>
    %add3A = arith.addf %broadcast_in_dim3A_7, %mul3A : vector<256x1728xf32>
    %slice3A_29 = vector.extract_strided_slice %concatenate3A {offsets = [32, 0], sizes = [32, 48], strides = [1, 1]} : vector<64x48xf32> to vector<32x48xf32>
    %slice3A_30 = vector.extract_strided_slice %concatenate3A {offsets = [0, 0], sizes = [32, 48], strides = [1, 1]} : vector<64x48xf32> to vector<32x48xf32>
    %concatenate3A_31 = tpu.concatenate %slice3A_29, %slice3A_30 in 0 : vector<32x48xf32>, vector<32x48xf32> -> vector<64x48xf32>
    %reshape3A_32 = vector.shape_cast %concatenate3A_31 : vector<64x48xf32> to vector<4x1x16x48xf32>
    %broadcast_in_dim3A_33 = vector.shape_cast %reshape3A_32 : vector<4x1x16x48xf32> to vector<4x1x16x48xf32>
    %broadcast_in_dim3A_34 = vector.broadcast %broadcast_in_dim3A_33 : vector<4x1x16x48xf32> to vector<4x4x16x48xf32>
    %reshape3A_35 = vector.shape_cast %broadcast_in_dim3A_34 : vector<4x4x16x48xf32> to vector<256x48xf32>
    %get3A_36 = arith.constant 0 : index
    %get3A_37 = arith.constant 0 : index
    %get3A_38 = vector.load %arg3[%get3A_36, %get3A_37] : memref<48x1728xf32, #tpu.memory_space<vmem>>, vector<48x1728xf32>
    %dot_general3A_39 = arith.constant dense<0.000000e+00> : vector<256x1728xf32>
    %dot_general3A_40 = tpu.matmul %reshape3A_35, %get3A_38, %dot_general3A_39 {dimension_numbers = #tpu.dot_dimension_numbers<[1], [0], [0], [1], [0, 0, 1, 1], [], []>, precision = #tpu.contract_precision<fp32>, transpose_lhs_hint = false} : vector<256x48xf32>, vector<48x1728xf32>, vector<256x1728xf32> -> vector<256x1728xf32>
    %get3A_41 = arith.constant 0 : index
    %get3A_42 = arith.constant 0 : index
    %get3A_43 = arith.constant 1 : index
    %get3A_44 = arith.constant 0 : index
    %get3A_45 = vector.load %arg2[%get3A_41, %get3A_42, %get3A_43, %get3A_44] : memref<1x256x4x36xf32, #tpu.memory_space<vmem>>, vector<1x256x1x36xf32>
    %get3A_46 = vector.shape_cast %get3A_45 : vector<1x256x1x36xf32> to vector<256x36xf32>
    %get3A_47 = arith.constant 0 : index
    %get3A_48 = arith.constant 0 : index
    %get3A_49 = vector.load %arg4[%get3A_47, %get3A_48] : memref<36x1728xf32, #tpu.memory_space<vmem>>, vector<36x1728xf32>
    %dot_general3A_50 = arith.constant dense<0.000000e+00> : vector<256x1728xf32>
    %dot_general3A_51 = tpu.matmul %get3A_46, %get3A_49, %dot_general3A_50 {dimension_numbers = #tpu.dot_dimension_numbers<[1], [0], [0], [1], [0, 0, 1, 1], [], []>, precision = #tpu.contract_precision<fp32>, transpose_lhs_hint = false} : vector<256x36xf32>, vector<36x1728xf32>, vector<256x1728xf32> -> vector<256x1728xf32>
    %mul3A_52 = arith.mulf %dot_general3A_51, %dot_general3A_40 : vector<256x1728xf32>
    %add3A_53 = arith.addf %add3A, %mul3A_52 : vector<256x1728xf32>
    %slice3A_54 = vector.extract_strided_slice %concatenate3A {offsets = [48, 0], sizes = [16, 48], strides = [1, 1]} : vector<64x48xf32> to vector<16x48xf32>
    %slice3A_55 = vector.extract_strided_slice %concatenate3A {offsets = [0, 0], sizes = [48, 48], strides = [1, 1]} : vector<64x48xf32> to vector<48x48xf32>
    %concatenate3A_56 = tpu.concatenate %slice3A_54, %slice3A_55 in 0 : vector<16x48xf32>, vector<48x48xf32> -> vector<64x48xf32>
    %reshape3A_57 = vector.shape_cast %concatenate3A_56 : vector<64x48xf32> to vector<4x1x16x48xf32>
    %broadcast_in_dim3A_58 = vector.shape_cast %reshape3A_57 : vector<4x1x16x48xf32> to vector<4x1x16x48xf32>
    %broadcast_in_dim3A_59 = vector.broadcast %broadcast_in_dim3A_58 : vector<4x1x16x48xf32> to vector<4x4x16x48xf32>
    %reshape3A_60 = vector.shape_cast %broadcast_in_dim3A_59 : vector<4x4x16x48xf32> to vector<256x48xf32>
    %get3A_61 = arith.constant 0 : index
    %get3A_62 = arith.constant 0 : index
    %get3A_63 = vector.load %arg3[%get3A_61, %get3A_62] : memref<48x1728xf32, #tpu.memory_space<vmem>>, vector<48x1728xf32>
    %dot_general3A_64 = arith.constant dense<0.000000e+00> : vector<256x1728xf32>
    %dot_general3A_65 = tpu.matmul %reshape3A_60, %get3A_63, %dot_general3A_64 {dimension_numbers = #tpu.dot_dimension_numbers<[1], [0], [0], [1], [0, 0, 1, 1], [], []>, precision = #tpu.contract_precision<fp32>, transpose_lhs_hint = false} : vector<256x48xf32>, vector<48x1728xf32>, vector<256x1728xf32> -> vector<256x1728xf32>
    %get3A_66 = arith.constant 0 : index
    %get3A_67 = arith.constant 0 : index
    %get3A_68 = arith.constant 2 : index
    %get3A_69 = arith.constant 0 : index
    %get3A_70 = vector.load %arg2[%get3A_66, %get3A_67, %get3A_68, %get3A_69] : memref<1x256x4x36xf32, #tpu.memory_space<vmem>>, vector<1x256x1x36xf32>
    %get3A_71 = vector.shape_cast %get3A_70 : vector<1x256x1x36xf32> to vector<256x36xf32>
    %get3A_72 = arith.constant 0 : index
    %get3A_73 = arith.constant 0 : index
    %get3A_74 = vector.load %arg4[%get3A_72, %get3A_73] : memref<36x1728xf32, #tpu.memory_space<vmem>>, vector<36x1728xf32>
    %dot_general3A_75 = arith.constant dense<0.000000e+00> : vector<256x1728xf32>
    %dot_general3A_76 = tpu.matmul %get3A_71, %get3A_74, %dot_general3A_75 {dimension_numbers = #tpu.dot_dimension_numbers<[1], [0], [0], [1], [0, 0, 1, 1], [], []>, precision = #tpu.contract_precision<fp32>, transpose_lhs_hint = false} : vector<256x36xf32>, vector<36x1728xf32>, vector<256x1728xf32> -> vector<256x1728xf32>
    %mul3A_77 = arith.mulf %dot_general3A_76, %dot_general3A_65 : vector<256x1728xf32>
    %add3A_78 = arith.addf %add3A_53, %mul3A_77 : vector<256x1728xf32>
    %get3A_79 = arith.constant 0 : index
    %get3A_80 = arith.constant 0 : index
    %get3A_81 = arith.constant 3 : index
    %get3A_82 = arith.constant 0 : index
    %get3A_83 = vector.load %arg2[%get3A_79, %get3A_80, %get3A_81, %get3A_82] : memref<1x256x4x36xf32, #tpu.memory_space<vmem>>, vector<1x256x1x36xf32>
    %get3A_84 = vector.shape_cast %get3A_83 : vector<1x256x1x36xf32> to vector<256x36xf32>
    %get3A_85 = arith.constant 0 : index
    %get3A_86 = arith.constant 0 : index
    %get3A_87 = vector.load %arg4[%get3A_85, %get3A_86] : memref<36x1728xf32, #tpu.memory_space<vmem>>, vector<36x1728xf32>
    %dot_general3A_88 = arith.constant dense<0.000000e+00> : vector<256x1728xf32>
    %dot_general3A_89 = tpu.matmul %get3A_84, %get3A_87, %dot_general3A_88 {dimension_numbers = #tpu.dot_dimension_numbers<[1], [0], [0], [1], [0, 0, 1, 1], [], []>, precision = #tpu.contract_precision<fp32>, transpose_lhs_hint = false} : vector<256x36xf32>, vector<36x1728xf32>, vector<256x1728xf32> -> vector<256x1728xf32>
    %div3A = arith.divf %add3A_78, %dot_general3A_89 : vector<256x1728xf32>
    %get3A_90 = arith.constant 0 : index
    %get3A_91 = arith.constant 0 : index
    %get3A_92 = vector.load %arg5[%get3A_90, %get3A_91] : memref<1728x48xf32, #tpu.memory_space<vmem>>, vector<1728x48xf32>
    %dot_general3A_93 = arith.constant dense<0.000000e+00> : vector<256x48xf32>
    %dot_general3A_94 = tpu.matmul %div3A, %get3A_92, %dot_general3A_93 {dimension_numbers = #tpu.dot_dimension_numbers<[1], [0], [0], [1], [0, 0, 1, 1], [], []>, transpose_lhs_hint = false} : vector<256x1728xf32>, vector<1728x48xf32>, vector<256x48xf32> -> vector<256x48xf32>
    %get3A_95 = arith.constant 0 : index
    %get3A_96 = arith.constant 0 : index
    %get3A_97 = arith.constant 0 : index
    %get3A_98 = vector.load %arg1[%get3A_95, %get3A_96, %get3A_97] : memref<1x256x48xf32, #tpu.memory_space<vmem>>, vector<1x256x48xf32>
    %get3A_99 = vector.shape_cast %get3A_98 : vector<1x256x48xf32> to vector<256x48xf32>
    %concatenate3A_100 = tpu.concatenate %get3A_99, %dot_general3A_94 in 1 : vector<256x48xf32>, vector<256x48xf32> -> vector<256x96xf32>
    %get3A_101 = arith.constant 0 : index
    %get3A_102 = arith.constant 0 : index
    %get3A_103 = vector.load %arg6[%get3A_101, %get3A_102] : memref<96x144xf32, #tpu.memory_space<vmem>>, vector<96x144xf32>
    %dot_general3A_104 = arith.constant dense<0.000000e+00> : vector<256x144xf32>
    %dot_general3A_105 = tpu.matmul %concatenate3A_100, %get3A_103, %dot_general3A_104 {dimension_numbers = #tpu.dot_dimension_numbers<[1], [0], [0], [1], [0, 0, 1, 1], [], []>, transpose_lhs_hint = false} : vector<256x96xf32>, vector<96x144xf32>, vector<256x144xf32> -> vector<256x144xf32>
    %get3A_106 = arith.constant 0 : index
    %get3A_107 = arith.constant 0 : index
    %get3A_108 = vector.load %arg8[%get3A_106, %get3A_107] : memref<1x144xf32, #tpu.memory_space<vmem>>, vector<1x144xf32>
    %add3A_109 = vector.broadcast %get3A_108 : vector<1x144xf32> to vector<256x144xf32>
    %add3A_110 = arith.addf %dot_general3A_105, %add3A_109 : vector<256x144xf32>
    %get3A_111 = arith.constant 0 : index
    %get3A_112 = arith.constant 0 : index
    %get3A_113 = vector.load %arg7[%get3A_111, %get3A_112] : memref<48x144xf32, #tpu.memory_space<vmem>>, vector<48x144xf32>
    %dot_general3A_114 = arith.constant dense<0.000000e+00> : vector<256x144xf32>
    %dot_general3A_115 = tpu.matmul %get3A_3, %get3A_113, %dot_general3A_114 {dimension_numbers = #tpu.dot_dimension_numbers<[1], [0], [0], [1], [0, 0, 1, 1], [], []>, transpose_lhs_hint = false} : vector<256x48xf32>, vector<48x144xf32>, vector<256x144xf32> -> vector<256x144xf32>
    %get3A_116 = arith.constant 0 : index
    %get3A_117 = arith.constant 0 : index
    %get3A_118 = vector.load %arg9[%get3A_116, %get3A_117] : memref<1x144xf32, #tpu.memory_space<vmem>>, vector<1x144xf32>
    %add3A_119 = vector.broadcast %get3A_118 : vector<1x144xf32> to vector<256x144xf32>
    %add3A_120 = arith.addf %dot_general3A_115, %add3A_119 : vector<256x144xf32>
    %slice3A_121 = vector.extract_strided_slice %add3A_110 {offsets = [0, 0], sizes = [256, 48], strides = [1, 1]} : vector<256x144xf32> to vector<256x48xf32>
    %slice3A_122 = vector.extract_strided_slice %add3A_120 {offsets = [0, 0], sizes = [256, 48], strides = [1, 1]} : vector<256x144xf32> to vector<256x48xf32>
    %add3A_123 = arith.addf %slice3A_121, %slice3A_122 : vector<256x48xf32>
    %logistic3A = arith.negf %add3A_123 : vector<256x48xf32>
    %logistic3A_124 = math.exp %logistic3A : vector<256x48xf32>
    %logistic3A_125 = arith.constant 1.000000e+00 : f32
    %logistic3A_126 = vector.broadcast %logistic3A_125 : f32 to vector<256x48xf32>
    %logistic3A_127 = arith.addf %logistic3A_126, %logistic3A_124 : vector<256x48xf32>
    %logistic3A_128 = arith.divf %logistic3A_126, %logistic3A_127 : vector<256x48xf32>
    %slice3A_129 = vector.extract_strided_slice %add3A_110 {offsets = [0, 48], sizes = [256, 48], strides = [1, 1]} : vector<256x144xf32> to vector<256x48xf32>
    %slice3A_130 = vector.extract_strided_slice %add3A_120 {offsets = [0, 48], sizes = [256, 48], strides = [1, 1]} : vector<256x144xf32> to vector<256x48xf32>
    %add3A_131 = arith.addf %slice3A_129, %slice3A_130 : vector<256x48xf32>
    %logistic3A_132 = arith.negf %add3A_131 : vector<256x48xf32>
    %logistic3A_133 = math.exp %logistic3A_132 : vector<256x48xf32>
    %logistic3A_134 = arith.constant 1.000000e+00 : f32
    %logistic3A_135 = vector.broadcast %logistic3A_134 : f32 to vector<256x48xf32>
    %logistic3A_136 = arith.addf %logistic3A_135, %logistic3A_133 : vector<256x48xf32>
    %logistic3A_137 = arith.divf %logistic3A_135, %logistic3A_136 : vector<256x48xf32>
    %slice3A_138 = vector.extract_strided_slice %add3A_110 {offsets = [0, 96], sizes = [256, 48], strides = [1, 1]} : vector<256x144xf32> to vector<256x48xf32>
    %slice3A_139 = vector.extract_strided_slice %add3A_120 {offsets = [0, 96], sizes = [256, 48], strides = [1, 1]} : vector<256x144xf32> to vector<256x48xf32>
    %mul3A_140 = arith.mulf %logistic3A_128, %slice3A_139 : vector<256x48xf32>
    %add3A_141 = arith.addf %slice3A_138, %mul3A_140 : vector<256x48xf32>
    %tanh3A = math.tanh %add3A_141 : vector<256x48xf32>
    %sub3A = arith.constant 1.000000e+00 : f32
    %sub3A_142 = vector.broadcast %sub3A : f32 to vector<256x48xf32>
    %sub3A_143 = arith.subf %sub3A_142, %logistic3A_137 : vector<256x48xf32>
    %mul3A_144 = arith.mulf %sub3A_143, %tanh3A : vector<256x48xf32>
    %mul3A_145 = arith.mulf %logistic3A_137, %get3A_3 : vector<256x48xf32>
    %add3A_146 = arith.addf %mul3A_144, %mul3A_145 : vector<256x48xf32>
    %swap3A = arith.constant 0 : index
    %swap3A_147 = arith.constant 0 : index
    %swap3A_148 = vector.load %arg17[%swap3A, %swap3A_147] : memref<256x48xf32, #tpu.memory_space<vmem>>, vector<256x48xf32>
    tpu.vector_store %arg17[%swap3A, %swap3A_147], %add3A_146 {strides = array<i32>} : memref<256x48xf32, #tpu.memory_space<vmem>>, vector<256x48xf32>,
    %get3A_149 = arith.constant 0 : index
    %get3A_150 = arith.constant 0 : index
    %get3A_151 = vector.load %arg10[%get3A_149, %get3A_150] : memref<48x80xf32, #tpu.memory_space<vmem>>, vector<48x80xf32>
    %dot_general3A_152 = arith.constant dense<0.000000e+00> : vector<256x80xf32>
    %dot_general3A_153 = tpu.matmul %add3A_146, %get3A_151, %dot_general3A_152 {dimension_numbers = #tpu.dot_dimension_numbers<[1], [0], [0], [1], [0, 0, 1, 1], [], []>, transpose_lhs_hint = false} : vector<256x48xf32>, vector<48x80xf32>, vector<256x80xf32> -> vector<256x80xf32>
    %get3A_154 = arith.constant 0 : index
    %get3A_155 = arith.constant 0 : index
    %get3A_156 = vector.load %arg11[%get3A_154, %get3A_155] : memref<1x80xf32, #tpu.memory_space<vmem>>, vector<1x80xf32>
    %add3A_157 = vector.broadcast %get3A_156 : vector<1x80xf32> to vector<256x80xf32>
    %add3A_158 = arith.addf %dot_general3A_153, %add3A_157 : vector<256x80xf32>
    %swap3A_159 = arith.constant 0 : index
    %swap3A_160 = arith.constant 0 : index
    %swap3A_161 = vector.load %arg15[%swap3A_159, %swap3A_160] : memref<256x80xf32, #tpu.memory_space<vmem>>, vector<256x80xf32>
    tpu.vector_store %arg15[%swap3A_159, %swap3A_160], %add3A_158 {strides = array<i32>} : memref<256x80xf32, #tpu.memory_space<vmem>>, vector<256x80xf32>,
    %get3A_162 = arith.constant 0 : index
    %get3A_163 = arith.constant 0 : index
    %get3A_164 = vector.load %arg16[%get3A_162, %get3A_163] : memref<256x1xf32, #tpu.memory_space<vmem>>, vector<256x1xf32>
    %get3A_165 = arith.constant 0 : index
    %get3A_166 = arith.constant 0 : index
    %get3A_167 = vector.load %arg12[%get3A_165, %get3A_166] : memref<48x1xf32, #tpu.memory_space<vmem>>, vector<48x1xf32>
    %dot_general3A_168 = arith.constant dense<0.000000e+00> : vector<256x1xf32>
    %dot_general3A_169 = tpu.matmul %add3A_146, %get3A_167, %dot_general3A_168 {dimension_numbers = #tpu.dot_dimension_numbers<[1], [0], [0], [1], [0, 0, 1, 1], [], []>, transpose_lhs_hint = false} : vector<256x48xf32>, vector<48x1xf32>, vector<256x1xf32> -> vector<256x1xf32>
    %add3A_170 = arith.addf %get3A_164, %dot_general3A_169 : vector<256x1xf32>
    %get3A_171 = arith.constant 0 : index
    %get3A_172 = arith.constant 0 : index
    %get3A_173 = vector.load %arg13[%get3A_171, %get3A_172] : memref<1x1xf32, #tpu.memory_space<vmem>>, vector<1x1xf32>
    %add3A_174 = vector.broadcast %get3A_173 : vector<1x1xf32> to vector<256x1xf32>
    %add3A_175 = arith.addf %add3A_170, %add3A_174 : vector<256x1xf32>
    %swap3A_176 = arith.constant 0 : index
    %swap3A_177 = arith.constant 0 : index
    %swap3A_178 = vector.load %arg16[%swap3A_176, %swap3A_177] : memref<256x1xf32, #tpu.memory_space<vmem>>, vector<256x1xf32>
    tpu.vector_store %arg16[%swap3A_176, %swap3A_177], %add3A_175 {strides = array<i32>} : memref<256x1xf32, #tpu.memory_space<vmem>>, vector<256x1xf32>,
    return
  }
  func.func @transform_0(%arg0: i32) -> (i32, i32, i32) {
    %c0_i32 = arith.constant 0 : i32
    %c0_i32_0 = arith.constant 0 : i32
    %c0_i32_1 = arith.constant 0 : i32
    return %arg0, %c0_i32, %c0_i32_0 : i32, i32, i32
  }
  func.func @transform_1(%arg0: i32) -> (i32, i32, i32, i32) {
    %c0_i32 = arith.constant 0 : i32
    %c0_i32_0 = arith.constant 0 : i32
    %c0_i32_1 = arith.constant 0 : i32
    %c0_i32_2 = arith.constant 0 : i32
    return %arg0, %c0_i32, %c0_i32_0, %c0_i32_1 : i32, i32, i32, i32
  }
  func.func @transform_2(%arg0: i32) -> (i32, i32) {
    %c0_i32 = arith.constant 0 : i32
    %c0_i32_0 = arith.constant 0 : i32
    %c0_i32_1 = arith.constant 0 : i32
    return %c0_i32, %c0_i32_0 : i32, i32
  }
  func.func @transform_3(%arg0: i32) -> (i32, i32) {
    %c0_i32 = arith.constant 0 : i32
    %c0_i32_0 = arith.constant 0 : i32
    %c0_i32_1 = arith.constant 0 : i32
    return %c0_i32, %c0_i32_0 : i32, i32
  }
  func.func @transform_4(%arg0: i32) -> (i32, i32) {
    %c0_i32 = arith.constant 0 : i32
    %c0_i32_0 = arith.constant 0 : i32
    %c0_i32_1 = arith.constant 0 : i32
    return %c0_i32, %c0_i32_0 : i32, i32
  }
  func.func @transform_5(%arg0: i32) -> (i32, i32) {
    %c0_i32 = arith.constant 0 : i32
    %c0_i32_0 = arith.constant 0 : i32
    %c0_i32_1 = arith.constant 0 : i32
    return %c0_i32, %c0_i32_0 : i32, i32
  }
  func.func @transform_6(%arg0: i32) -> (i32, i32) {
    %c0_i32 = arith.constant 0 : i32
    %c0_i32_0 = arith.constant 0 : i32
    %c0_i32_1 = arith.constant 0 : i32
    return %c0_i32, %c0_i32_0 : i32, i32
  }
  func.func @transform_7(%arg0: i32) -> (i32, i32) {
    %c0_i32 = arith.constant 0 : i32
    %c0_i32_0 = arith.constant 0 : i32
    %c0_i32_1 = arith.constant 0 : i32
    return %c0_i32, %c0_i32_0 : i32, i32
  }
  func.func @transform_8(%arg0: i32) -> (i32, i32) {
    %c0_i32 = arith.constant 0 : i32
    %c0_i32_0 = arith.constant 0 : i32
    %c0_i32_1 = arith.constant 0 : i32
    return %c0_i32, %c0_i32_0 : i32, i32
  }
  func.func @transform_9(%arg0: i32) -> (i32, i32) {
    %c0_i32 = arith.constant 0 : i32
    %c0_i32_0 = arith.constant 0 : i32
    %c0_i32_1 = arith.constant 0 : i32
    return %c0_i32, %c0_i32_0 : i32, i32
  }
  func.func @transform_10(%arg0: i32) -> (i32, i32) {
    %c0_i32 = arith.constant 0 : i32
    %c0_i32_0 = arith.constant 0 : i32
    %c0_i32_1 = arith.constant 0 : i32
    return %c0_i32, %c0_i32_0 : i32, i32
  }
  func.func @transform_11(%arg0: i32) -> (i32, i32) {
    %c0_i32 = arith.constant 0 : i32
    %c0_i32_0 = arith.constant 0 : i32
    %c0_i32_1 = arith.constant 0 : i32
    return %c0_i32, %c0_i32_0 : i32, i32
  }
  func.func @transform_12(%arg0: i32) -> (i32, i32) {
    %c0_i32 = arith.constant 0 : i32
    %c0_i32_0 = arith.constant 0 : i32
    %c0_i32_1 = arith.constant 0 : i32
    return %c0_i32, %c0_i32_0 : i32, i32
  }
  func.func @transform_13(%arg0: i32) -> (i32, i32) {
    %c0_i32 = arith.constant 0 : i32
    %c0_i32_0 = arith.constant 0 : i32
    %c0_i32_1 = arith.constant 0 : i32
    return %c0_i32, %c0_i32_0 : i32, i32
  }
  func.func @transform_14(%arg0: i32) -> (i32, i32) {
    %c0_i32 = arith.constant 0 : i32
    %c0_i32_0 = arith.constant 0 : i32
    %c0_i32_1 = arith.constant 0 : i32
    return %c0_i32, %c0_i32_0 : i32, i32
  }
  func.func @transform_15(%arg0: i32) -> (i32, i32) {
    %c0_i32 = arith.constant 0 : i32
    %c0_i32_0 = arith.constant 0 : i32
    %c0_i32_1 = arith.constant 0 : i32
    return %c0_i32, %c0_i32_0 : i32, i32
  }
}

</mosaic_0001>

<sc_bundles>
// kernel: kernel.6.cloned.1.call-start
scs
__scs_entry_jumppad:
0x0: {  	(pc) =	sbr.rel $0x88, $3  }
0x1: {  	(tag) =	ssettag $0x0;
	lr =	simm.s32 $0x1  }
0x2: {  	[smem:$0x3F8F] =	sst lr;
	_ =	strace $0xD0000000  }
0x3: {  	_ = 	snop  }
0x4: {  	_ = 	snop  }
0x5: {  	_ = 	snop  }
0x6: {  	_ = 	snop  }
0x7: {  	_ = 	snop  }
__scs_overlays_trampoline_lowered:
0x8: {  	[smem:$0x3F9E] =	sst s0  }
0x9: {  	[smem:$0x3F9F] =	sst s1  }
0xa: {  	[smem:$0x3FA0] =	sst s2  }
0xb: {  	[smem:$0x3FA1] =	sst s3  }
0xc: {  	[smem:$0x3FA2] =	sst s4  }
0xd: {  	[smem:$0x3FA3] =	sst s5  }
0xe: {  	[smem:$0x3FA4] =	sst s6  }
0xf: {  	[smem:$0x3FA5] =	sst s7  }
0x10: {  	[smem:$0x3FA6] =	sst s8  }
0x11: {  	[smem:$0x3FA7] =	sst s9;
	s0 =	simm.s32 @!p0 $0x0  }
0x12: {  	s1 =	sld [smem:$0x3F8D];
	s0 =	simm.s32 @p0 $0x1  }
0x13: {  	[smem:$0x3FA8] =	sst s0;
	s0 =	simm.s32 @!p1 $0x0  }
0x14: {  	s2 =	sld [smem:$0x3F8C];
	s0 =	simm.s32 @p1 $0x1  }
0x15: {  	[smem:$0x3FA9] =	sst s0;
	s0 =	simm.s32 @!p2 $0x0  }
0x16: {  	s3 =	sld [smem:$0x3FDB];
	s0 =	simm.s32 @p2 $0x1  }
0x17: {  	s4 =	simm.s32 $0x1BF5;
	[smem:$0x3FAB] =	sst s0  }
0x18: {  	s0 =	sld [smem:$0x3F8E];
	_ =	swait.ge [sflag:s4], $0x0  }
0x19: {  	s7 =	sld [smem:$0x3F8F]  }
0x1a: {  	s8 =	sadd.s32 $0xFFFFE003, lr  }
0x1b: {  	s9 =	sadd.s32 $0xFFFFFEF7, lr;
	s5 =	simm.s32 $0xFFFFFFFF;
	p2 =	slt.u32 s8, $0xFFFFF086  }
0x1c: {  	p1 =	slt.u32 s9, $0xF7A;
	s5 =	simm.s32 @!p2 $0x0  }
0x1d: {  	s5 =	simm.s32 @p1 $0x1;
	p0 =	seq.s32 s7, s2  }
0x1e: {  	s7 =	smul.u32 @!p0 $0xF7A, s2;
	p2 =	seq.s32 @!p0 s5, $0x0  }
0x1f: {  	s9 =	smul.u32 $0xF7A, s1;
	s8 =	simm.s32 @!p0 $0x1BF5;
	p2 =	por !p2, p0  }
0x20: {  	[sflag:s8] =	ssyncset.s32 @!p0 $0xFFFFF086;
	s6 =	sadd.s32 @!p0 s3, s7;
	s7 =	simm.s32 @!p0 $0x108  }
0x21: {  	s3 =	sadd.s32 s3, s9;
	s6 =	sadd.s32 @!p0 $0x88, s6;
	s7 =	simm.s32 @p2 $0x1082  }
0x22: {  	[simem:s7], [sflag:s8] =	dma.local @!p0 [hbm:s6], $0xF7A  }
0x23: {  	s9 =	sor.u32 $0xD0000000, s2;
	s6 =	simm.s32 $0x108;
	_ =	swait.ge @!p0 [sflag:s8], $0x0  }
0x24: {  	s3 =	sadd.s32 $0x88, s3;
	s6 =	simm.s32 @!p1 $0x1082;
	[sflag:s4] =	ssyncset.s32 $0xFFFFF086  }
0x25: {  	[simem:s6], [sflag:s4] =	dma.local [hbm:s3], $0xF7A  }
0x26: {  	[smem:$0x3F8F] =	sst s1;
	(tag) =	ssettag s2;
	_ =	strace s9  }
0x27: {  	s1 =	sld [smem:$0x3F9F]  }
0x28: {  	s2 =	sld [smem:$0x3FA0]  }
0x29: {  	s4 =	sld [smem:$0x3FA2]  }
0x2a: {  	p0 =	seq.s32 s5, $0x0;
	s5 =	sld [smem:$0x3FA3]  }
0x2b: {  	s6 =	sld [smem:$0x3FA4]  }
0x2c: {  	s7 =	sld [smem:$0x3FA5]  }
0x2d: {  	s3 =	simm.s32 $0x108;
	s8 =	sld [smem:$0x3FA6]  }
0x2e: {  	s3 =	simm.s32 @!p0 $0x1082;
	s9 =	sld [smem:$0x3FA7]  }
0x2f: {  	lr =	sadd.s32 s0, s3;
	s0 =	sld [smem:$0x3F9E]  }
0x30: {  	s3 =	sld [smem:$0x3FA1]  }
0x31: {  	[smem:$0x3FAA] =	sst s10  }
0x32: {  	s10 =	sld [smem:$0x3FA8];
	_ =	sdelay $0x3  }
0x33: {  	p0 =	seq.s32 s10, $0x1;
	s10 =	sld [smem:$0x3FAA];
	_ =	sdelay $0x3  }
0x34: {  	[smem:$0x3FAA] =	sst s10  }
0x35: {  	s10 =	sld [smem:$0x3FA9];
	_ =	sdelay $0x3  }
0x36: {  	p1 =	seq.s32 s10, $0x1;
	s10 =	sld [smem:$0x3FAA];
	_ =	sdelay $0x3  }
0x37: {  	[smem:$0x3FAA] =	sst s10  }
0x38: {  	s10 =	sld [smem:$0x3FAB]  }
0x39: {  	_ = 	snop;
	(pc) =	sbr.ind lr, $3  }
0x3a: {  	_ = 	snop  }
0x3b: {  	_ = 	snop  }
0x3c: {  	p2 =	seq.s32 s10, $0x1;
	s10 =	sld [smem:$0x3FAA]  }
0x3d: {  	_ =	shalt  }
0x3e: {  	_ =	shalt  }
0x3f: {  	_ =	shalt  }
0x40: {  	_ =	shalt  }
0x41: {  	_ =	shalt  }
0x42: {  	_ =	shalt  }
0x43: {  	_ =	shalt  }
0x44: {  	_ =	shalt  }
0x45: {  	_ =	shalt  }
0x46: {  	_ =	shalt  }
0x47: {  	_ =	shalt  }
0x48: {  	_ =	shalt  }
0x49: {  	_ =	shalt  }
0x4a: {  	_ =	shalt  }
0x4b: {  	_ =	shalt  }
0x4c: {  	_ =	shalt  }
0x4d: {  	_ =	shalt  }
0x4e: {  	_ =	shalt  }
0x4f: {  	_ =	shalt  }
0x50: {  	_ =	shalt  }
0x51: {  	_ =	shalt  }
0x52: {  	_ =	shalt  }
0x53: {  	_ =	shalt  }
0x54: {  	_ =	shalt  }
0x55: {  	_ =	shalt  }
0x56: {  	_ =	shalt  }
0x57: {  	_ =	shalt  }
0x58: {  	_ =	shalt  }
0x59: {  	_ =	shalt  }
0x5a: {  	_ =	shalt  }
0x5b: {  	_ =	shalt  }
0x5c: {  	_ =	shalt  }
0x5d: {  	_ =	shalt  }
0x5e: {  	_ =	shalt  }
0x5f: {  	_ =	shalt  }
0x60: {  	_ =	shalt  }
0x61: {  	_ =	shalt  }
0x62: {  	_ =	shalt  }
0x63: {  	_ =	shalt  }
0x64: {  	_ =	shalt  }
0x65: {  	_ =	shalt  }
0x66: {  	_ =	shalt  }
0x67: {  	_ =	shalt  }
0x68: {  	_ =	shalt  }
0x69: {  	_ =	shalt  }
0x6a: {  	_ =	shalt  }
0x6b: {  	_ =	shalt  }
0x6c: {  	_ =	shalt  }
0x6d: {  	_ =	shalt  }
0x6e: {  	_ =	shalt  }
0x6f: {  	_ =	shalt  }
0x70: {  	_ =	shalt  }
0x71: {  	_ =	shalt  }
0x72: {  	_ =	shalt  }
0x73: {  	_ =	shalt  }
0x74: {  	_ =	shalt  }
0x75: {  	_ =	shalt  }
0x76: {  	_ =	shalt  }
0x77: {  	_ =	shalt  }
0x78: {  	_ =	shalt  }
0x79: {  	_ =	shalt  }
0x7a: {  	_ =	shalt  }
0x7b: {  	_ =	shalt  }
0x7c: {  	_ =	shalt  }
0x7d: {  	_ =	shalt  }
0x7e: {  	_ =	shalt  }
0x7f: {  	_ =	shalt  }
0x80: {  	_ =	shalt  }
0x81: {  	_ =	shalt  }
0x82: {  	_ =	shalt  }
0x83: {  	_ =	shalt  }
0x84: {  	_ =	shalt  }
0x85: {  	_ =	shalt  }
0x86: {  	_ =	shalt  }
0x87: {  	_ =	shalt  }
.Lfunc_end0:
.L_simem_size_0:
called_computation_lowered:
.L_overlay_start_0:
0x88: {  	s2 =	sld [smem:$0x3FD9]  }
0x89: {  	s3 =	sld [smem:$0x3FFE];
	_ =	sdelay $0x1  }
0x8a: {  	s1 =	srdreg.scid  }
0x8b: {  	s0 =	sand.u32 $0x1, s1  }
0x8c: {  	s14 =	sshll.u32 s0, $0xA;
	s2 =	sadd.s32 s3, s2  }
0x8d: {  	s2 =	sadd.s32 s2, s14  }
0x8e: {  	[smem:$0x3FB6] =	sst s2  }
0x8f: {  	_ = 	snop  }
0x90: {  	s2 =	sld [smem:$0x3FD0];
	_ =	sdelay $0x2  }
0x91: {  	s15 =	simm.s32 $0xA;
	s4 =	simm.s32 $0x10  }
0x92: {  	[smem:s4], [sflag:s15] =	dma.local [hbm:s2], $0x1  }
0x93: {  	_ =	swait.eq [sflag:s15], $0x1  }
0x94: {  	[sflag:s15] =	ssyncset.done $0x0  }
0x95: {  	[sflag:s15] =	ssyncadd.s32 $0xFFFFFFFF  }
0x96: {  	s16 =	sld [smem:$0x10];
	(tm) =	ssettm $0x1  }
0x97: {  	s17 =	sld [smem:$0x3FFB];
	_ =	sdelay $0x3  }
0x98: {  	_ =	strace s17  }
0x99: {  	s3 =	sld [smem:$0x3FFC];
	_ =	sdelay $0x3  }
0x9a: {  	_ =	strace s3  }
0x9b: {  	s3 =	sld [smem:$0x3FFD];
	_ =	sdelay $0x3  }
0x9c: {  	_ =	strace s3  }
0x9d: {  	_ =	strace $0x8FFFFFFF  }
0x9e: {  	s18 =	sld [smem:$0x3FDB];
	_ =	sdelay $0x1  }
0x9f: {  	s19 =	simm.s32 $_scs_section_size  }
0xa0: {  	s5 =	simm.s32 $_size__tile_overlayer_lowered;
	s6 =	simm.s32 $_tile_overlayer_lowered  }
0xa1: {  	s22 =	simm.s32 $0x1BFF;
	s21 =	sshll.u32 s6, $0x1;
	s3 =	sadd.s32 s19, s18  }
0xa2: {  	s7 =	simm.s32 $0x0;
	s20 =	sshll.u32 s5, $0x1;
	s5 =	sadd.s32 s21, s3  }
0xa3: {  	[timem:s7], [sflag:s22] =	dma.local [hbm:s5], s20  }
0xa4: {  	_ =	swait.ge [sflag:s22], s20  }
0xa5: {  	s4 =	ssub.s32 $0x0, s20;
	[sflag:s22] =	ssyncset.done $0x0  }
0xa6: {  	[sflag:s22] =	ssyncadd.s32 s4;
	_ =	sdelay $0x1  }
0xa7: {  	s23 =	simm.s32 $0x1B8B  }
0xa8: {  	_ =	swait.ge [sflag:s23], $0x1  }
0xa9: {  	[sflag:s23] =	ssyncset.done $0x0  }
0xaa: {  	s25 =	simm.s32 $0x1B8E;
	s24 =	sld [smem:$0x3FFE];
	[sflag:s23] =	ssyncadd.s32 $0xFFFFFFFF  }
0xab: {  	s26 =	simm.s32 $execute0_lowered;
	[smem:$0x3FD2] =	sst s25  }
0xac: {  	s5 =	sshll.u32 s26, $0x1;
	_ =	strace $0x80000046;
	[dreg:$0x1] =	wrdreg $0xFFFFFFFF  }
0xad: {  	s28 =	simm.s32 $_size_execute0_lowered;
	s3 =	sadd.s32 s3, s5;
	[dreg:$0x0] =	wrdreg $0x0  }
0xae: {  	s5 =	sshll.u32 s28, $0x1;
	[dreg:$0x2] =	wrdreg s3  }
0xaf: {  	[dreg:$0x3] =	wrdreg s5  }
0xb0: {  	[dreg:$0x4] =	wrdreg $0xC0  }
0xb1: {  	_ =	task [dreg:s7], $0x5FFFF  }
0xb2: {  	[dreg:$0x1] =	wrdreg $0xFFFFFFFF  }
0xb3: {  	[dreg:$0x0] =	wrdreg $0x60  }
0xb4: {  	[dreg:$0x2] =	wrdreg s24  }
0xb5: {  	[dreg:$0x3] =	wrdreg s16  }
0xb6: {  	[dreg:$0x4] =	wrdreg $0x9  }
0xb7: {  	_ =	task.clear_ibuf [dreg:s7], $0x5FFFF;
	_ =	strace $0x90000046  }
0xb8: {  	s29 =	simm.s32 $0x9;
	_ =	strace $0x80000048  }
0xb9: {  	_ =	swait.ge [sflag:s29], $0x1  }
0xba: {  	[sflag:s29] =	ssyncadd.s32 $0xFFFFFFFF  }
0xbb: {  	_ =	strace $0x90000048  }
0xbc: {  	_ =	sfence  }
0xbd: {  	s30 =	sld [smem:$0x0];
	_ =	sdelay $0x2  }
0xbe: {  	s31 =	sshll.u32 s1, $0xD;
	s1 =	sshrl.u32 s1, $0x2  }
0xbf: {  	s3 =	sand.u32 $0x4000, s31;
	s1 =	sadd.s32 s1, s30  }
0xc0: {  	s0 =	sor.u32 s3, s0;
	s1 =	sshll.u32 s1, $0x11  }
0xc1: {  	s0 =	sor.u32 s1, s0  }
0xc2: {  	s0 =	sadd.s32 $0x8F2B, s0  }
0xc3: {  	[sflag:s0] =	ssyncadd.remote.s32 $0x1  }
0xc4: {  	_ =	sfence.sel $0xFFFF  }
0xc5: {  	[dreg:$0x0] =	wrdreg $0xFFFFFFFF;
	(pc) =	sbr.abs _section_cstart, $3  }
0xc6: {  	[dreg:$0x1] =	wrdreg $0xFFFFFFFF  }
0xc7: {  	_ =	task.clear_ibuf [dreg:s7], $0x2FFFF;
	_ =	strace $0x9FFFFFFF  }
0xc8: {  	(tm) =	ssettm $0x7FFFFFFF  }
0xc9: {  	_ =	shalt  }
tec
execute0_lowered:
.L_overlay_start_1:
0x0: {  	(tag) =	ssettag $0x1  }
0x1: {  	s1 =	srdreg.scid  }
0x2: {  	s0 =	stileid.u32;
	s9 =	rddreg [dreg:$0x0]  }
0x3: {  	s3 =	rddreg [dreg:$0x1];
	s6 =	sand.u32 $0x1, s1;
	s30 =	sshll.u32 s0, $0x1  }
0x4: {  	s2 =	simm.s32 $0x0;
	s1 =	rddreg [dreg:$0x2];
	s7 =	sor.u32 s6, s30  }
0x5: {  	s8 =	simm.s32 $0x1;
	[smem:$0x7FF] =	sst s2;
	s4 =	smul.u32 $0x28, s7  }
0x6: {  	s5 =	sadd.s32 $0x20F600, s9;
	_ =	strace $0x80000047;
	s11 =	ssub.s32 $0x2, s6  }
0x7: {  	s6 =	simm.s32 $0x140;
	s4 =	sadd.s32 s3, s4;
	s3 =	simm.s32 $0x2  }
0x8: {  	[tilespmem:s2], [sflag:$0x2] =	stream.linear.gather [hbm4b:s4+s2], $0x140, $0x38;
	[tilespmem:$0xA180] =	vst v63  }
0x9: {  	s10 =	smul.u32 $0x1400, s7;
	s12 =	sshrl.u32 s11, $0x1;
	_ =	swait.ge [sflag:s3], $0x140  }
0xa: {  	s7 =	simm.s32 $0x180;
	s31 =	ssub.s32 s11, s12;
	[sflag:s3] =	ssyncset.done $0x0  }
0xb: {  	s9 =	sadd.s32 s10, s9;
	s10 =	smax.u32 s31, $0x1;
	[sflag:s3] =	ssyncadd.s32 $0xFFFFFEC0  }
0xc: {  	[tilespmem:s7], [sflag:$0x1] =	stream.indirect.gather [hbm4b:s5+s6], $0x80, s2, s6, $0xb8;
	[tilespmem:$0xA180] =	vst v63  }
0xd: {  	p0 =	sne.s32 s10, $0x1;
	_ =	swait.ge [sflag:s8], $0xA000  }
.Ltmp0:
0xe: {  	[sflag:s8] =	ssyncset.done $0x0;
	(pc) =	sbr.rel @!p0 .LBB2_2-.Ltmp0, $4  }
0xf: {  	s9 =	sadd.s32 $0x2600, s9;
	[sflag:s8] =	ssyncadd.s32 $0xFFFF6000  }
0x10: {  	[hbm4b:s9+s2] =	stream.linear.scatter [tilespmem:s7], [sflag:$0x2], $0xA000, $0x38;
	[tilespmem:$0xA180] =	vst v63  }
0x11: {  	_ =	swait.ge [sflag:s3], $0xA000  }
0x12: {  	s10 =	sadd.s32 $0xFFFFFFFF, s10;
	[sflag:s3] =	ssyncset.done $0x0  }
.LBB2_1:
0x13: {  	p0 =	sne.s32 s10, $0x1;
	s10 =	sadd.s32 $0xFFFFFFFF, s10;
	[sflag:s3] =	ssyncadd.s32 $0xFFFF6000  }
0x14: {  	[tilespmem:s2], [sflag:$0x2] =	stream.linear.gather [hbm4b:s4+s2], $0x140, $0x38;
	[tilespmem:$0xA180] =	vst v63  }
0x15: {  	_ =	swait.ge [sflag:s3], $0x140  }
0x16: {  	[sflag:s3] =	ssyncset.done $0x0  }
0x17: {  	[sflag:s3] =	ssyncadd.s32 $0xFFFFFEC0  }
0x18: {  	[tilespmem:s7], [sflag:$0x1] =	stream.indirect.gather [hbm4b:s5+s6], $0x80, s2, s6, $0xb8;
	[tilespmem:$0xA180] =	vst v63  }
0x19: {  	_ =	swait.ge [sflag:s8], $0xA000  }
.Ltmp1:
0x1a: {  	[sflag:s8] =	ssyncset.done $0x0;
	(pc) =	sbr.rel @p0 .LBB2_1-.Ltmp1, $4  }
0x1b: {  	[sflag:s8] =	ssyncadd.s32 $0xFFFF6000  }
0x1c: {  	[hbm4b:s9+s2] =	stream.linear.scatter [tilespmem:s7], [sflag:$0x2], $0xA000, $0x38;
	[tilespmem:$0xA180] =	vst v63  }
0x1d: {  	_ =	swait.ge [sflag:s3], $0xA000  }
0x1e: {  	[sflag:s3] =	ssyncset.done $0x0  }
.LBB2_2:
0x1f: {  	[sflag:s3] =	ssyncadd.s32 $0xFFFF6000  }
0x20: {  	_ =	sfence.sel $0x180000  }
0x21: {  	[bflag:$0x0] =	sbarrier.arrive $0xFFFF  }
0x22: {  	p0 =	sne.s32 s0, $0x0;
	_ =	strace $0x90000047  }
0x23: {  	s0 =	sadd.s32 @!p0 $0x100000, s1;
	[bflag:$0x2] =	sbarrier.arrive $0xFFFF  }
0x24: {  	[sflag:s0] =	ssyncadd.tile.s32 @!p0 $0x1;
	_ =	shalt  }
.Lfunc_end2:
_tile_overlayer_lowered:
.L_overlay_start_2:
0x25: {  	(tag) =	ssettag $0x2  }
0x26: {  	s0 =	rddreg [dreg:$0x0];
	s2 =	stileid.u32  }
0x27: {  	s1 =	rddreg [dreg:$0x1];
	p0 =	sne.s32 s2, $0x0  }
0x28: {  	s3 =	rddreg [dreg:$0x2];
	[bflag:$0x3] =	sbarrier.arrive $0xFFFF;
	s2 =	simm.s32 @!p0 $0x1C02  }
0x29: {  	[timem:s3], [sflag:s2] =	dma.local @!p0 [hbm:s0], s1  }
0x2a: {  	s0 =	simm.s32 @!p0 $0x2  }
0x2b: {  	_ =	swait.ge @!p0 [sflag:s0], s1  }
0x2c: {  	s1 =	ssub.s32 @!p0 $0x0, s1;
	[sflag:s0] =	ssyncset.done @!p0 $0x0  }
0x2d: {  	[sflag:s0] =	ssyncadd.s32 @!p0 s1  }
0x2e: {  	[bflag:$0x3] =	sbarrier.arrive $0xFFFF  }
0x2f: {  	_ =	shalt  }

</sc_bundles>
